<compile_context>
chip_gen: v7x
topology: tpu7x:2x2x1
jax: 0.10.2.dev20260603
libtpu: 0.0.44.dev20260713+nightly
codegen_flags: <defaults>
</compile_context>

<pallas_src>
import jax
import jax.numpy as jnp
from jax import lax
from jax.experimental import pallas as pl
from jax.experimental.pallas import tpu as pltpu
from jax.experimental.pallas import tpu_sc as plsc

ROWS = 16384
COLS = 1000
K = 200
L = 16
NW = 32
NGROUPS = 13
CBLK = 2048
NCB = ROWS // CBLK
NTASKS = NGROUPS * NCB
MAX_TASKS_PER_W = (NTASKS + NW - 1) // NW
NBUF = 3


def _task_coords(t):
    g = t // NCB
    cb = t % NCB
    off = jnp.where(g < NGROUPS - 1, g * L, K - L)
    return off, cb * CBLK


def _xmask_kernel(xt_hbm, mask_hbm, out_hbm, mask_v, b0, b1, b2, g0, g1, g2, w0, w1, w2):
    wid = lax.axis_index("s") * 2 + lax.axis_index("c")
    pltpu.sync_copy(mask_hbm, mask_v)
    bufs = (b0, b1, b2)
    gsems = (g0, g1, g2)
    wsems = (w0, w1, w2)

    def gather_copy(t, b):
        off, c0 = _task_coords(t)
        idx = mask_v[pl.ds(off, L)]
        return pltpu.make_async_copy(
            xt_hbm.at[idx, pl.ds(c0, CBLK)], bufs[b], gsems[b]
        )

    def write_copy(t, b):
        off, c0 = _task_coords(t)
        return pltpu.make_async_copy(
            bufs[b], out_hbm.at[pl.ds(off, L), pl.ds(c0, CBLK)], wsems[b]
        )

    def guarded(t, fn):
        @pl.when(t < NTASKS)
        def _():
            fn()

    for k in range(min(NBUF, MAX_TASKS_PER_W)):
        t = wid + NW * k
        guarded(t, lambda t=t, b=k: gather_copy(t, b).start())
    for k in range(MAX_TASKS_PER_W):
        t = wid + NW * k
        b = k % NBUF
        guarded(t, lambda t=t, b=b: (gather_copy(t, b).wait(), write_copy(t, b).start()))
        kn = k + NBUF
        if kn < MAX_TASKS_PER_W:
            tn = wid + NW * kn
            bn = kn % NBUF
            guarded(tn, lambda t=tn, b=bn, tp=wid + NW * (kn - NBUF): (
                write_copy(tp, b).wait(), gather_copy(t, b).start()))
    for k in range(max(0, MAX_TASKS_PER_W - NBUF), MAX_TASKS_PER_W):
        t = wid + NW * k
        b = k % NBUF
        guarded(t, lambda t=t, b=b: write_copy(t, b).wait())

    return


def kernel(x, mask):
    mesh = plsc.VectorSubcoreMesh(core_axis_name="c", subcore_axis_name="s")
    run = pl.kernel(
        _xmask_kernel,
        mesh=mesh,
        out_type=jax.ShapeDtypeStruct((K, ROWS), jnp.float32),
        scratch_types=[
            pltpu.VMEM((K,), jnp.int32),
            pltpu.VMEM((L, CBLK), jnp.float32),
            pltpu.VMEM((L, CBLK), jnp.float32),
            pltpu.VMEM((L, CBLK), jnp.float32),
            pltpu.SemaphoreType.DMA,
            pltpu.SemaphoreType.DMA,
            pltpu.SemaphoreType.DMA,
            pltpu.SemaphoreType.DMA,
            pltpu.SemaphoreType.DMA,
            pltpu.SemaphoreType.DMA,
        ],
        compiler_params=pltpu.CompilerParams(
            needs_layout_passes=False,
            skip_device_barrier=True,
            disable_bounds_checks=True,
            disable_semaphore_checks=True,
        ),
    )
    return run(x.T, mask).T

# --- scband reference (transcript-rebuilt; emitter-appended) ---
"""Pipeline reference for scband-image-net-xmasking-layer-84593675862701 (READ-ONLY COPY).

The authoritative reference and input builder live on the scoring server;
editing this copy changes nothing except your own understanding.
"""

import jax, jax.numpy as jnp
import numpy as np


def setup_inputs(seed: int = 0) -> dict:
    key = jax.random.key(seed)
    kx, = jax.random.split(key, 1)
    x = jax.random.normal(kx, (16384, 1000), dtype=jnp.float32)
    # mask: 200-class subset of the 1000 ImageNet classes (every 5th class),
    # mirroring the ImageNet-R / ImageNet-X class-subset masking layer.
    mask = jnp.arange(0, 1000, 5, dtype=jnp.int32)
    return {"x": x, "mask": mask}


def reference(x, mask):
    # Faithful translation of: return x[:, self.mask]
    # Column gather over the class dimension.
    return jnp.take(x, mask, axis=1)

if __name__ == "__main__":
    import jax
    _d = setup_inputs()
    print(jax.jit(kernel)(*tuple(_d.values())))

</pallas_src>

<mosaic_0001>
#map = affine_map<(d0, d1) -> (0, 0)>
#map1 = affine_map<(d0, d1) -> (0)>
module attributes {stable_mosaic.version = 14 : i64} {
  func.func @_xmask_kernel(%arg0: i32, %arg1: i32, %arg2: memref<1000x16384xf32, #tpu.memory_space<hbm>>, %arg3: memref<200xi32, #tpu.memory_space<hbm>>, %arg4: memref<200x16384xf32, #tpu.memory_space<hbm>>, %arg5: memref<200xi32, #tpu.memory_space<vmem>>, %arg6: memref<16x2048xf32, #tpu.memory_space<vmem>>, %arg7: memref<16x2048xf32, #tpu.memory_space<vmem>>, %arg8: memref<16x2048xf32, #tpu.memory_space<vmem>>, %arg9: memref<!tpu.dma_semaphore, #tpu.memory_space<semaphore_mem>>, %arg10: memref<!tpu.dma_semaphore, #tpu.memory_space<semaphore_mem>>, %arg11: memref<!tpu.dma_semaphore, #tpu.memory_space<semaphore_mem>>, %arg12: memref<!tpu.dma_semaphore, #tpu.memory_space<semaphore_mem>>, %arg13: memref<!tpu.dma_semaphore, #tpu.memory_space<semaphore_mem>>, %arg14: memref<!tpu.dma_semaphore, #tpu.memory_space<semaphore_mem>>) attributes {dimension_semantics = [#tpu.dimension_semantics<core_parallel>, #tpu.dimension_semantics<subcore_parallel>], iteration_bounds = array<i64: 2, 16>, scalar_prefetch = 0 : i64, scratch_operands = 10 : i64, tpu.core_type = #tpu.core_type<sc_vector_subcore>, window_params = [{transform_indices = #map}, {transform_indices = #map1}, {transform_indices = #map}]} {
    %mul3A = arith.constant 2 : i32
    %mul3A_0 = arith.muli %arg1, %mul3A : i32
    %add3A = arith.addi %mul3A_0, %arg0 : i32
    "tpu.region"() ({
      %run_scoped3A = tpu.sem_alloc : memref<!tpu.dma_semaphore, #tpu.memory_space<semaphore_mem>>
      tpu.enqueue_dma source(%arg3 : memref<200xi32, #tpu.memory_space<hbm>>) target(%arg5 : memref<200xi32, #tpu.memory_space<vmem>>) target_semaphore(%run_scoped3A : memref<!tpu.dma_semaphore, #tpu.memory_space<semaphore_mem>>)
      tpu.wait_dma2 semaphore(%run_scoped3A : memref<!tpu.dma_semaphore, #tpu.memory_space<semaphore_mem>>) src(%arg3 : memref<200xi32, #tpu.memory_space<hbm>>) dst(%arg5 : memref<200xi32, #tpu.memory_space<vmem>>)
      tpu.yield
    }) : () -> ()
    %add3A_1 = arith.constant 0 : i32
    %add3A_2 = arith.addi %add3A, %add3A_1 : i32
    %lt3A = arith.constant 104 : i32
    %lt3A_3 = arith.cmpi slt, %add3A_2, %lt3A : i32
    %convert_element_type3A = arith.extui %lt3A_3 : i1 to i32
    %cond3A = arith.constant 0 : i32
    %cond3A_4 = arith.cmpi ne, %convert_element_type3A, %cond3A : i32
    scf.if %cond3A_4 {
      %jit3A = arith.constant 8 : i32
      %div3A = arith.divsi %add3A_2, %jit3A : i32
      %sign3A = arith.constant 0 : i32
      %sign3A_77 = arith.cmpi sgt, %add3A_2, %sign3A : i32
      %sign3A_78 = arith.extui %sign3A_77 : i1 to i32
      %sign3A_79 = arith.constant 0 : i32
      %sign3A_80 = arith.cmpi slt, %add3A_2, %sign3A_79 : i32
      %sign3A_81 = arith.extui %sign3A_80 : i1 to i32
      %sign3A_82 = arith.subi %sign3A_78, %sign3A_81 : i32
      %sign3A_83 = arith.constant 0 : i32
      %sign3A_84 = arith.cmpi sgt, %jit3A, %sign3A_83 : i32
      %sign3A_85 = arith.extui %sign3A_84 : i1 to i32
      %sign3A_86 = arith.constant 0 : i32
      %sign3A_87 = arith.cmpi slt, %jit3A, %sign3A_86 : i32
      %sign3A_88 = arith.extui %sign3A_87 : i1 to i32
      %sign3A_89 = arith.subi %sign3A_85, %sign3A_88 : i32
      %ne3A = arith.cmpi ne, %sign3A_82, %sign3A_89 : i32
      %rem3A = arith.remsi %add3A_2, %jit3A : i32
      %ne3A_90 = arith.constant 0 : i32
      %ne3A_91 = arith.cmpi ne, %rem3A, %ne3A_90 : i32
      %and3A = arith.andi %ne3A, %ne3A_91 : i1
      %sub3A = arith.constant 1 : i32
      %sub3A_92 = arith.subi %div3A, %sub3A : i32
      %select_n3A = arith.select %and3A, %sub3A_92, %div3A : i32
      %jit3A_93 = arith.constant 8 : i32
      %eq3A = arith.constant 0 : i32
      %eq3A_94 = arith.cmpi eq, %jit3A_93, %eq3A : i32
      %jit3A_95 = arith.constant 1 : i32
      %select_n3A_96 = arith.select %eq3A_94, %jit3A_95, %jit3A_93 : i32
      %rem3A_97 = arith.remsi %add3A_2, %select_n3A_96 : i32
      %ne3A_98 = arith.constant 0 : i32
      %ne3A_99 = arith.cmpi ne, %rem3A_97, %ne3A_98 : i32
      %lt3A_100 = arith.constant 0 : i32
      %lt3A_101 = arith.cmpi slt, %rem3A_97, %lt3A_100 : i32
      %lt3A_102 = arith.constant 0 : i32
      %lt3A_103 = arith.cmpi slt, %select_n3A_96, %lt3A_102 : i32
      %ne3A_104 = arith.xori %lt3A_101, %lt3A_103 : i1
      %and3A_105 = arith.andi %ne3A_104, %ne3A_99 : i1
      %add3A_106 = arith.addi %rem3A_97, %select_n3A_96 : i32
      %select_n3A_107 = arith.select %and3A_105, %add3A_106, %rem3A_97 : i32
      %lt3A_108 = arith.constant 12 : i32
      %lt3A_109 = arith.cmpi slt, %select_n3A, %lt3A_108 : i32
      %mul3A_110 = arith.constant 16 : i32
      %mul3A_111 = arith.muli %select_n3A, %mul3A_110 : i32
      %jit3A_112 = arith.constant 184 : i32
      %select_n3A_113 = arith.select %lt3A_109, %mul3A_111, %jit3A_112 : i32
      %mul3A_114 = arith.constant 2048 : i32
      %mul3A_115 = arith.muli %select_n3A_107, %mul3A_114 : i32
      %get3A = arith.index_cast %select_n3A_113 : i32 to index
      %get3A_116 = tpu.vector_load %arg5[%get3A] {strides = array<i32>} : memref<200xi32, #tpu.memory_space<vmem>>, vector<16xi32>,
      %dma_start3A = arith.constant 0 : i32
      %dma_start3A_117 = tpu.memref_slice %arg2[%dma_start3A, %mul3A_115] : memref<1000x16384xf32, #tpu.memory_space<hbm>> -> memref<1000x2048xf32, #tpu.memory_space<hbm>>
      tpu.enqueue_indirect_dma source(%dma_start3A_117 : memref<1000x2048xf32, #tpu.memory_space<hbm>>) target(%arg6 : memref<16x2048xf32, #tpu.memory_space<vmem>>) offsets(%get3A_116 : vector<16xi32>) semaphore(%arg9 : memref<!tpu.dma_semaphore, #tpu.memory_space<semaphore_mem>>)
    } else {
    }
    %add3A_5 = arith.constant 32 : i32
    %add3A_6 = arith.addi %add3A, %add3A_5 : i32
    %lt3A_7 = arith.constant 104 : i32
    %lt3A_8 = arith.cmpi slt, %add3A_6, %lt3A_7 : i32
    %convert_element_type3A_9 = arith.extui %lt3A_8 : i1 to i32
    %cond3A_10 = arith.constant 0 : i32
    %cond3A_11 = arith.cmpi ne, %convert_element_type3A_9, %cond3A_10 : i32
    scf.if %cond3A_11 {
      %jit3A = arith.constant 8 : i32
      %div3A = arith.divsi %add3A_6, %jit3A : i32
      %sign3A = arith.constant 0 : i32
      %sign3A_77 = arith.cmpi sgt, %add3A_6, %sign3A : i32
      %sign3A_78 = arith.extui %sign3A_77 : i1 to i32
      %sign3A_79 = arith.constant 0 : i32
      %sign3A_80 = arith.cmpi slt, %add3A_6, %sign3A_79 : i32
      %sign3A_81 = arith.extui %sign3A_80 : i1 to i32
      %sign3A_82 = arith.subi %sign3A_78, %sign3A_81 : i32
      %sign3A_83 = arith.constant 0 : i32
      %sign3A_84 = arith.cmpi sgt, %jit3A, %sign3A_83 : i32
      %sign3A_85 = arith.extui %sign3A_84 : i1 to i32
      %sign3A_86 = arith.constant 0 : i32
      %sign3A_87 = arith.cmpi slt, %jit3A, %sign3A_86 : i32
      %sign3A_88 = arith.extui %sign3A_87 : i1 to i32
      %sign3A_89 = arith.subi %sign3A_85, %sign3A_88 : i32
      %ne3A = arith.cmpi ne, %sign3A_82, %sign3A_89 : i32
      %rem3A = arith.remsi %add3A_6, %jit3A : i32
      %ne3A_90 = arith.constant 0 : i32
      %ne3A_91 = arith.cmpi ne, %rem3A, %ne3A_90 : i32
      %and3A = arith.andi %ne3A, %ne3A_91 : i1
      %sub3A = arith.constant 1 : i32
      %sub3A_92 = arith.subi %div3A, %sub3A : i32
      %select_n3A = arith.select %and3A, %sub3A_92, %div3A : i32
      %jit3A_93 = arith.constant 8 : i32
      %eq3A = arith.constant 0 : i32
      %eq3A_94 = arith.cmpi eq, %jit3A_93, %eq3A : i32
      %jit3A_95 = arith.constant 1 : i32
      %select_n3A_96 = arith.select %eq3A_94, %jit3A_95, %jit3A_93 : i32
      %rem3A_97 = arith.remsi %add3A_6, %select_n3A_96 : i32
      %ne3A_98 = arith.constant 0 : i32
      %ne3A_99 = arith.cmpi ne, %rem3A_97, %ne3A_98 : i32
      %lt3A_100 = arith.constant 0 : i32
      %lt3A_101 = arith.cmpi slt, %rem3A_97, %lt3A_100 : i32
      %lt3A_102 = arith.constant 0 : i32
      %lt3A_103 = arith.cmpi slt, %select_n3A_96, %lt3A_102 : i32
      %ne3A_104 = arith.xori %lt3A_101, %lt3A_103 : i1
      %and3A_105 = arith.andi %ne3A_104, %ne3A_99 : i1
      %add3A_106 = arith.addi %rem3A_97, %select_n3A_96 : i32
      %select_n3A_107 = arith.select %and3A_105, %add3A_106, %rem3A_97 : i32
      %lt3A_108 = arith.constant 12 : i32
      %lt3A_109 = arith.cmpi slt, %select_n3A, %lt3A_108 : i32
      %mul3A_110 = arith.constant 16 : i32
      %mul3A_111 = arith.muli %select_n3A, %mul3A_110 : i32
      %jit3A_112 = arith.constant 184 : i32
      %select_n3A_113 = arith.select %lt3A_109, %mul3A_111, %jit3A_112 : i32
      %mul3A_114 = arith.constant 2048 : i32
      %mul3A_115 = arith.muli %select_n3A_107, %mul3A_114 : i32
      %get3A = arith.index_cast %select_n3A_113 : i32 to index
      %get3A_116 = tpu.vector_load %arg5[%get3A] {strides = array<i32>} : memref<200xi32, #tpu.memory_space<vmem>>, vector<16xi32>,
      %dma_start3A = arith.constant 0 : i32
      %dma_start3A_117 = tpu.memref_slice %arg2[%dma_start3A, %mul3A_115] : memref<1000x16384xf32, #tpu.memory_space<hbm>> -> memref<1000x2048xf32, #tpu.memory_space<hbm>>
      tpu.enqueue_indirect_dma source(%dma_start3A_117 : memref<1000x2048xf32, #tpu.memory_space<hbm>>) target(%arg7 : memref<16x2048xf32, #tpu.memory_space<vmem>>) offsets(%get3A_116 : vector<16xi32>) semaphore(%arg10 : memref<!tpu.dma_semaphore, #tpu.memory_space<semaphore_mem>>)
    } else {
    }
    %add3A_12 = arith.constant 64 : i32
    %add3A_13 = arith.addi %add3A, %add3A_12 : i32
    %lt3A_14 = arith.constant 104 : i32
    %lt3A_15 = arith.cmpi slt, %add3A_13, %lt3A_14 : i32
    %convert_element_type3A_16 = arith.extui %lt3A_15 : i1 to i32
    %cond3A_17 = arith.constant 0 : i32
    %cond3A_18 = arith.cmpi ne, %convert_element_type3A_16, %cond3A_17 : i32
    scf.if %cond3A_18 {
      %jit3A = arith.constant 8 : i32
      %div3A = arith.divsi %add3A_13, %jit3A : i32
      %sign3A = arith.constant 0 : i32
      %sign3A_77 = arith.cmpi sgt, %add3A_13, %sign3A : i32
      %sign3A_78 = arith.extui %sign3A_77 : i1 to i32
      %sign3A_79 = arith.constant 0 : i32
      %sign3A_80 = arith.cmpi slt, %add3A_13, %sign3A_79 : i32
      %sign3A_81 = arith.extui %sign3A_80 : i1 to i32
      %sign3A_82 = arith.subi %sign3A_78, %sign3A_81 : i32
      %sign3A_83 = arith.constant 0 : i32
      %sign3A_84 = arith.cmpi sgt, %jit3A, %sign3A_83 : i32
      %sign3A_85 = arith.extui %sign3A_84 : i1 to i32
      %sign3A_86 = arith.constant 0 : i32
      %sign3A_87 = arith.cmpi slt, %jit3A, %sign3A_86 : i32
      %sign3A_88 = arith.extui %sign3A_87 : i1 to i32
      %sign3A_89 = arith.subi %sign3A_85, %sign3A_88 : i32
      %ne3A = arith.cmpi ne, %sign3A_82, %sign3A_89 : i32
      %rem3A = arith.remsi %add3A_13, %jit3A : i32
      %ne3A_90 = arith.constant 0 : i32
      %ne3A_91 = arith.cmpi ne, %rem3A, %ne3A_90 : i32
      %and3A = arith.andi %ne3A, %ne3A_91 : i1
      %sub3A = arith.constant 1 : i32
      %sub3A_92 = arith.subi %div3A, %sub3A : i32
      %select_n3A = arith.select %and3A, %sub3A_92, %div3A : i32
      %jit3A_93 = arith.constant 8 : i32
      %eq3A = arith.constant 0 : i32
      %eq3A_94 = arith.cmpi eq, %jit3A_93, %eq3A : i32
      %jit3A_95 = arith.constant 1 : i32
      %select_n3A_96 = arith.select %eq3A_94, %jit3A_95, %jit3A_93 : i32
      %rem3A_97 = arith.remsi %add3A_13, %select_n3A_96 : i32
      %ne3A_98 = arith.constant 0 : i32
      %ne3A_99 = arith.cmpi ne, %rem3A_97, %ne3A_98 : i32
      %lt3A_100 = arith.constant 0 : i32
      %lt3A_101 = arith.cmpi slt, %rem3A_97, %lt3A_100 : i32
      %lt3A_102 = arith.constant 0 : i32
      %lt3A_103 = arith.cmpi slt, %select_n3A_96, %lt3A_102 : i32
      %ne3A_104 = arith.xori %lt3A_101, %lt3A_103 : i1
      %and3A_105 = arith.andi %ne3A_104, %ne3A_99 : i1
      %add3A_106 = arith.addi %rem3A_97, %select_n3A_96 : i32
      %select_n3A_107 = arith.select %and3A_105, %add3A_106, %rem3A_97 : i32
      %lt3A_108 = arith.constant 12 : i32
      %lt3A_109 = arith.cmpi slt, %select_n3A, %lt3A_108 : i32
      %mul3A_110 = arith.constant 16 : i32
      %mul3A_111 = arith.muli %select_n3A, %mul3A_110 : i32
      %jit3A_112 = arith.constant 184 : i32
      %select_n3A_113 = arith.select %lt3A_109, %mul3A_111, %jit3A_112 : i32
      %mul3A_114 = arith.constant 2048 : i32
      %mul3A_115 = arith.muli %select_n3A_107, %mul3A_114 : i32
      %get3A = arith.index_cast %select_n3A_113 : i32 to index
      %get3A_116 = tpu.vector_load %arg5[%get3A] {strides = array<i32>} : memref<200xi32, #tpu.memory_space<vmem>>, vector<16xi32>,
      %dma_start3A = arith.constant 0 : i32
      %dma_start3A_117 = tpu.memref_slice %arg2[%dma_start3A, %mul3A_115] : memref<1000x16384xf32, #tpu.memory_space<hbm>> -> memref<1000x2048xf32, #tpu.memory_space<hbm>>
      tpu.enqueue_indirect_dma source(%dma_start3A_117 : memref<1000x2048xf32, #tpu.memory_space<hbm>>) target(%arg8 : memref<16x2048xf32, #tpu.memory_space<vmem>>) offsets(%get3A_116 : vector<16xi32>) semaphore(%arg11 : memref<!tpu.dma_semaphore, #tpu.memory_space<semaphore_mem>>)
    } else {
    }
    %add3A_19 = arith.constant 0 : i32
    %add3A_20 = arith.addi %add3A, %add3A_19 : i32
    %lt3A_21 = arith.constant 104 : i32
    %lt3A_22 = arith.cmpi slt, %add3A_20, %lt3A_21 : i32
    %convert_element_type3A_23 = arith.extui %lt3A_22 : i1 to i32
    %cond3A_24 = arith.constant 0 : i32
    %cond3A_25 = arith.cmpi ne, %convert_element_type3A_23, %cond3A_24 : i32
    scf.if %cond3A_25 {
      %jit3A = arith.constant 8 : i32
      %div3A = arith.divsi %add3A_20, %jit3A : i32
      %sign3A = arith.constant 0 : i32
      %sign3A_77 = arith.cmpi sgt, %add3A_20, %sign3A : i32
      %sign3A_78 = arith.extui %sign3A_77 : i1 to i32
      %sign3A_79 = arith.constant 0 : i32
      %sign3A_80 = arith.cmpi slt, %add3A_20, %sign3A_79 : i32
      %sign3A_81 = arith.extui %sign3A_80 : i1 to i32
      %sign3A_82 = arith.subi %sign3A_78, %sign3A_81 : i32
      %sign3A_83 = arith.constant 0 : i32
      %sign3A_84 = arith.cmpi sgt, %jit3A, %sign3A_83 : i32
      %sign3A_85 = arith.extui %sign3A_84 : i1 to i32
      %sign3A_86 = arith.constant 0 : i32
      %sign3A_87 = arith.cmpi slt, %jit3A, %sign3A_86 : i32
      %sign3A_88 = arith.extui %sign3A_87 : i1 to i32
      %sign3A_89 = arith.subi %sign3A_85, %sign3A_88 : i32
      %ne3A = arith.cmpi ne, %sign3A_82, %sign3A_89 : i32
      %rem3A = arith.remsi %add3A_20, %jit3A : i32
      %ne3A_90 = arith.constant 0 : i32
      %ne3A_91 = arith.cmpi ne, %rem3A, %ne3A_90 : i32
      %and3A = arith.andi %ne3A, %ne3A_91 : i1
      %sub3A = arith.constant 1 : i32
      %sub3A_92 = arith.subi %div3A, %sub3A : i32
      %select_n3A = arith.select %and3A, %sub3A_92, %div3A : i32
      %jit3A_93 = arith.constant 8 : i32
      %eq3A = arith.constant 0 : i32
      %eq3A_94 = arith.cmpi eq, %jit3A_93, %eq3A : i32
      %jit3A_95 = arith.constant 1 : i32
      %select_n3A_96 = arith.select %eq3A_94, %jit3A_95, %jit3A_93 : i32
      %rem3A_97 = arith.remsi %add3A_20, %select_n3A_96 : i32
      %ne3A_98 = arith.constant 0 : i32
      %ne3A_99 = arith.cmpi ne, %rem3A_97, %ne3A_98 : i32
      %lt3A_100 = arith.constant 0 : i32
      %lt3A_101 = arith.cmpi slt, %rem3A_97, %lt3A_100 : i32
      %lt3A_102 = arith.constant 0 : i32
      %lt3A_103 = arith.cmpi slt, %select_n3A_96, %lt3A_102 : i32
      %ne3A_104 = arith.xori %lt3A_101, %lt3A_103 : i1
      %and3A_105 = arith.andi %ne3A_104, %ne3A_99 : i1
      %add3A_106 = arith.addi %rem3A_97, %select_n3A_96 : i32
      %select_n3A_107 = arith.select %and3A_105, %add3A_106, %rem3A_97 : i32
      %lt3A_108 = arith.constant 12 : i32
      %lt3A_109 = arith.cmpi slt, %select_n3A, %lt3A_108 : i32
      %mul3A_110 = arith.constant 16 : i32
      %mul3A_111 = arith.muli %select_n3A, %mul3A_110 : i32
      %jit3A_112 = arith.constant 184 : i32
      %select_n3A_113 = arith.select %lt3A_109, %mul3A_111, %jit3A_112 : i32
      %mul3A_114 = arith.constant 2048 : i32
      %mul3A_115 = arith.muli %select_n3A_107, %mul3A_114 : i32
      %get3A = arith.index_cast %select_n3A_113 : i32 to index
      %get3A_116 = tpu.vector_load %arg5[%get3A] {strides = array<i32>} : memref<200xi32, #tpu.memory_space<vmem>>, vector<16xi32>,
      %dma_wait3A = arith.constant 0 : i32
      %dma_wait3A_117 = tpu.memref_slice %arg2[%dma_wait3A, %mul3A_115] : memref<1000x16384xf32, #tpu.memory_space<hbm>> -> memref<1000x2048xf32, #tpu.memory_space<hbm>>
      tpu.wait_indirect_dma semaphore(%arg9 : memref<!tpu.dma_semaphore, #tpu.memory_space<semaphore_mem>>) src(%dma_wait3A_117 : memref<1000x2048xf32, #tpu.memory_space<hbm>>) dst(%arg6 : memref<16x2048xf32, #tpu.memory_space<vmem>>)
      %jit3A_118 = arith.constant 8 : i32
      %div3A_119 = arith.divsi %add3A_20, %jit3A_118 : i32
      %sign3A_120 = arith.constant 0 : i32
      %sign3A_121 = arith.cmpi sgt, %add3A_20, %sign3A_120 : i32
      %sign3A_122 = arith.extui %sign3A_121 : i1 to i32
      %sign3A_123 = arith.constant 0 : i32
      %sign3A_124 = arith.cmpi slt, %add3A_20, %sign3A_123 : i32
      %sign3A_125 = arith.extui %sign3A_124 : i1 to i32
      %sign3A_126 = arith.subi %sign3A_122, %sign3A_125 : i32
      %sign3A_127 = arith.constant 0 : i32
      %sign3A_128 = arith.cmpi sgt, %jit3A_118, %sign3A_127 : i32
      %sign3A_129 = arith.extui %sign3A_128 : i1 to i32
      %sign3A_130 = arith.constant 0 : i32
      %sign3A_131 = arith.cmpi slt, %jit3A_118, %sign3A_130 : i32
      %sign3A_132 = arith.extui %sign3A_131 : i1 to i32
      %sign3A_133 = arith.subi %sign3A_129, %sign3A_132 : i32
      %ne3A_134 = arith.cmpi ne, %sign3A_126, %sign3A_133 : i32
      %rem3A_135 = arith.remsi %add3A_20, %jit3A_118 : i32
      %ne3A_136 = arith.constant 0 : i32
      %ne3A_137 = arith.cmpi ne, %rem3A_135, %ne3A_136 : i32
      %and3A_138 = arith.andi %ne3A_134, %ne3A_137 : i1
      %sub3A_139 = arith.constant 1 : i32
      %sub3A_140 = arith.subi %div3A_119, %sub3A_139 : i32
      %select_n3A_141 = arith.select %and3A_138, %sub3A_140, %div3A_119 : i32
      %jit3A_142 = arith.constant 8 : i32
      %eq3A_143 = arith.constant 0 : i32
      %eq3A_144 = arith.cmpi eq, %jit3A_142, %eq3A_143 : i32
      %jit3A_145 = arith.constant 1 : i32
      %select_n3A_146 = arith.select %eq3A_144, %jit3A_145, %jit3A_142 : i32
      %rem3A_147 = arith.remsi %add3A_20, %select_n3A_146 : i32
      %ne3A_148 = arith.constant 0 : i32
      %ne3A_149 = arith.cmpi ne, %rem3A_147, %ne3A_148 : i32
      %lt3A_150 = arith.constant 0 : i32
      %lt3A_151 = arith.cmpi slt, %rem3A_147, %lt3A_150 : i32
      %lt3A_152 = arith.constant 0 : i32
      %lt3A_153 = arith.cmpi slt, %select_n3A_146, %lt3A_152 : i32
      %ne3A_154 = arith.xori %lt3A_151, %lt3A_153 : i1
      %and3A_155 = arith.andi %ne3A_154, %ne3A_149 : i1
      %add3A_156 = arith.addi %rem3A_147, %select_n3A_146 : i32
      %select_n3A_157 = arith.select %and3A_155, %add3A_156, %rem3A_147 : i32
      %lt3A_158 = arith.constant 12 : i32
      %lt3A_159 = arith.cmpi slt, %select_n3A_141, %lt3A_158 : i32
      %mul3A_160 = arith.constant 16 : i32
      %mul3A_161 = arith.muli %select_n3A_141, %mul3A_160 : i32
      %jit3A_162 = arith.constant 184 : i32
      %select_n3A_163 = arith.select %lt3A_159, %mul3A_161, %jit3A_162 : i32
      %mul3A_164 = arith.constant 2048 : i32
      %mul3A_165 = arith.muli %select_n3A_157, %mul3A_164 : i32
      %dma_start3A = tpu.memref_slice %arg4[%select_n3A_163, %mul3A_165] : memref<200x16384xf32, #tpu.memory_space<hbm>> -> memref<16x2048xf32, #tpu.memory_space<hbm>>
      %dma_start3A_166 = tpu.memref_slice %arg4[%select_n3A_163, %mul3A_165] : memref<200x16384xf32, #tpu.memory_space<hbm>> -> memref<16x2048xf32, #tpu.memory_space<hbm>>
      tpu.enqueue_dma source(%arg6 : memref<16x2048xf32, #tpu.memory_space<vmem>>) target(%dma_start3A_166 : memref<16x2048xf32, #tpu.memory_space<hbm>>) target_semaphore(%arg12 : memref<!tpu.dma_semaphore, #tpu.memory_space<semaphore_mem>>)
    } else {
    }
    %add3A_26 = arith.constant 96 : i32
    %add3A_27 = arith.addi %add3A, %add3A_26 : i32
    %add3A_28 = arith.constant 0 : i32
    %add3A_29 = arith.addi %add3A, %add3A_28 : i32
    %lt3A_30 = arith.constant 104 : i32
    %lt3A_31 = arith.cmpi slt, %add3A_27, %lt3A_30 : i32
    %convert_element_type3A_32 = arith.extui %lt3A_31 : i1 to i32
    %cond3A_33 = arith.constant 0 : i32
    %cond3A_34 = arith.cmpi ne, %convert_element_type3A_32, %cond3A_33 : i32
    scf.if %cond3A_34 {
      %jit3A = arith.constant 8 : i32
      %div3A = arith.divsi %add3A_29, %jit3A : i32
      %sign3A = arith.constant 0 : i32
      %sign3A_77 = arith.cmpi sgt, %add3A_29, %sign3A : i32
      %sign3A_78 = arith.extui %sign3A_77 : i1 to i32
      %sign3A_79 = arith.constant 0 : i32
      %sign3A_80 = arith.cmpi slt, %add3A_29, %sign3A_79 : i32
      %sign3A_81 = arith.extui %sign3A_80 : i1 to i32
      %sign3A_82 = arith.subi %sign3A_78, %sign3A_81 : i32
      %sign3A_83 = arith.constant 0 : i32
      %sign3A_84 = arith.cmpi sgt, %jit3A, %sign3A_83 : i32
      %sign3A_85 = arith.extui %sign3A_84 : i1 to i32
      %sign3A_86 = arith.constant 0 : i32
      %sign3A_87 = arith.cmpi slt, %jit3A, %sign3A_86 : i32
      %sign3A_88 = arith.extui %sign3A_87 : i1 to i32
      %sign3A_89 = arith.subi %sign3A_85, %sign3A_88 : i32
      %ne3A = arith.cmpi ne, %sign3A_82, %sign3A_89 : i32
      %rem3A = arith.remsi %add3A_29, %jit3A : i32
      %ne3A_90 = arith.constant 0 : i32
      %ne3A_91 = arith.cmpi ne, %rem3A, %ne3A_90 : i32
      %and3A = arith.andi %ne3A, %ne3A_91 : i1
      %sub3A = arith.constant 1 : i32
      %sub3A_92 = arith.subi %div3A, %sub3A : i32
      %select_n3A = arith.select %and3A, %sub3A_92, %div3A : i32
      %jit3A_93 = arith.constant 8 : i32
      %eq3A = arith.constant 0 : i32
      %eq3A_94 = arith.cmpi eq, %jit3A_93, %eq3A : i32
      %jit3A_95 = arith.constant 1 : i32
      %select_n3A_96 = arith.select %eq3A_94, %jit3A_95, %jit3A_93 : i32
      %rem3A_97 = arith.remsi %add3A_29, %select_n3A_96 : i32
      %ne3A_98 = arith.constant 0 : i32
      %ne3A_99 = arith.cmpi ne, %rem3A_97, %ne3A_98 : i32
      %lt3A_100 = arith.constant 0 : i32
      %lt3A_101 = arith.cmpi slt, %rem3A_97, %lt3A_100 : i32
      %lt3A_102 = arith.constant 0 : i32
      %lt3A_103 = arith.cmpi slt, %select_n3A_96, %lt3A_102 : i32
      %ne3A_104 = arith.xori %lt3A_101, %lt3A_103 : i1
      %and3A_105 = arith.andi %ne3A_104, %ne3A_99 : i1
      %add3A_106 = arith.addi %rem3A_97, %select_n3A_96 : i32
      %select_n3A_107 = arith.select %and3A_105, %add3A_106, %rem3A_97 : i32
      %lt3A_108 = arith.constant 12 : i32
      %lt3A_109 = arith.cmpi slt, %select_n3A, %lt3A_108 : i32
      %mul3A_110 = arith.constant 16 : i32
      %mul3A_111 = arith.muli %select_n3A, %mul3A_110 : i32
      %jit3A_112 = arith.constant 184 : i32
      %select_n3A_113 = arith.select %lt3A_109, %mul3A_111, %jit3A_112 : i32
      %mul3A_114 = arith.constant 2048 : i32
      %mul3A_115 = arith.muli %select_n3A_107, %mul3A_114 : i32
      %dma_wait3A = tpu.memref_slice %arg4[%select_n3A_113, %mul3A_115] : memref<200x16384xf32, #tpu.memory_space<hbm>> -> memref<16x2048xf32, #tpu.memory_space<hbm>>
      %dma_wait3A_116 = tpu.memref_slice %arg4[%select_n3A_113, %mul3A_115] : memref<200x16384xf32, #tpu.memory_space<hbm>> -> memref<16x2048xf32, #tpu.memory_space<hbm>>
      tpu.wait_dma2 semaphore(%arg12 : memref<!tpu.dma_semaphore, #tpu.memory_space<semaphore_mem>>) src(%arg6 : memref<16x2048xf32, #tpu.memory_space<vmem>>) dst(%dma_wait3A_116 : memref<16x2048xf32, #tpu.memory_space<hbm>>)
      %jit3A_117 = arith.constant 8 : i32
      %div3A_118 = arith.divsi %add3A_27, %jit3A_117 : i32
      %sign3A_119 = arith.constant 0 : i32
      %sign3A_120 = arith.cmpi sgt, %add3A_27, %sign3A_119 : i32
      %sign3A_121 = arith.extui %sign3A_120 : i1 to i32
      %sign3A_122 = arith.constant 0 : i32
      %sign3A_123 = arith.cmpi slt, %add3A_27, %sign3A_122 : i32
      %sign3A_124 = arith.extui %sign3A_123 : i1 to i32
      %sign3A_125 = arith.subi %sign3A_121, %sign3A_124 : i32
      %sign3A_126 = arith.constant 0 : i32
      %sign3A_127 = arith.cmpi sgt, %jit3A_117, %sign3A_126 : i32
      %sign3A_128 = arith.extui %sign3A_127 : i1 to i32
      %sign3A_129 = arith.constant 0 : i32
      %sign3A_130 = arith.cmpi slt, %jit3A_117, %sign3A_129 : i32
      %sign3A_131 = arith.extui %sign3A_130 : i1 to i32
      %sign3A_132 = arith.subi %sign3A_128, %sign3A_131 : i32
      %ne3A_133 = arith.cmpi ne, %sign3A_125, %sign3A_132 : i32
      %rem3A_134 = arith.remsi %add3A_27, %jit3A_117 : i32
      %ne3A_135 = arith.constant 0 : i32
      %ne3A_136 = arith.cmpi ne, %rem3A_134, %ne3A_135 : i32
      %and3A_137 = arith.andi %ne3A_133, %ne3A_136 : i1
      %sub3A_138 = arith.constant 1 : i32
      %sub3A_139 = arith.subi %div3A_118, %sub3A_138 : i32
      %select_n3A_140 = arith.select %and3A_137, %sub3A_139, %div3A_118 : i32
      %jit3A_141 = arith.constant 8 : i32
      %eq3A_142 = arith.constant 0 : i32
      %eq3A_143 = arith.cmpi eq, %jit3A_141, %eq3A_142 : i32
      %jit3A_144 = arith.constant 1 : i32
      %select_n3A_145 = arith.select %eq3A_143, %jit3A_144, %jit3A_141 : i32
      %rem3A_146 = arith.remsi %add3A_27, %select_n3A_145 : i32
      %ne3A_147 = arith.constant 0 : i32
      %ne3A_148 = arith.cmpi ne, %rem3A_146, %ne3A_147 : i32
      %lt3A_149 = arith.constant 0 : i32
      %lt3A_150 = arith.cmpi slt, %rem3A_146, %lt3A_149 : i32
      %lt3A_151 = arith.constant 0 : i32
      %lt3A_152 = arith.cmpi slt, %select_n3A_145, %lt3A_151 : i32
      %ne3A_153 = arith.xori %lt3A_150, %lt3A_152 : i1
      %and3A_154 = arith.andi %ne3A_153, %ne3A_148 : i1
      %add3A_155 = arith.addi %rem3A_146, %select_n3A_145 : i32
      %select_n3A_156 = arith.select %and3A_154, %add3A_155, %rem3A_146 : i32
      %lt3A_157 = arith.constant 12 : i32
      %lt3A_158 = arith.cmpi slt, %select_n3A_140, %lt3A_157 : i32
      %mul3A_159 = arith.constant 16 : i32
      %mul3A_160 = arith.muli %select_n3A_140, %mul3A_159 : i32
      %jit3A_161 = arith.constant 184 : i32
      %select_n3A_162 = arith.select %lt3A_158, %mul3A_160, %jit3A_161 : i32
      %mul3A_163 = arith.constant 2048 : i32
      %mul3A_164 = arith.muli %select_n3A_156, %mul3A_163 : i32
      %get3A = arith.index_cast %select_n3A_162 : i32 to index
      %get3A_165 = tpu.vector_load %arg5[%get3A] {strides = array<i32>} : memref<200xi32, #tpu.memory_space<vmem>>, vector<16xi32>,
      %dma_start3A = arith.constant 0 : i32
      %dma_start3A_166 = tpu.memref_slice %arg2[%dma_start3A, %mul3A_164] : memref<1000x16384xf32, #tpu.memory_space<hbm>> -> memref<1000x2048xf32, #tpu.memory_space<hbm>>
      tpu.enqueue_indirect_dma source(%dma_start3A_166 : memref<1000x2048xf32, #tpu.memory_space<hbm>>) target(%arg6 : memref<16x2048xf32, #tpu.memory_space<vmem>>) offsets(%get3A_165 : vector<16xi32>) semaphore(%arg9 : memref<!tpu.dma_semaphore, #tpu.memory_space<semaphore_mem>>)
    } else {
    }
    %add3A_35 = arith.constant 32 : i32
    %add3A_36 = arith.addi %add3A, %add3A_35 : i32
    %lt3A_37 = arith.constant 104 : i32
    %lt3A_38 = arith.cmpi slt, %add3A_36, %lt3A_37 : i32
    %convert_element_type3A_39 = arith.extui %lt3A_38 : i1 to i32
    %cond3A_40 = arith.constant 0 : i32
    %cond3A_41 = arith.cmpi ne, %convert_element_type3A_39, %cond3A_40 : i32
    scf.if %cond3A_41 {
      %jit3A = arith.constant 8 : i32
      %div3A = arith.divsi %add3A_36, %jit3A : i32
      %sign3A = arith.constant 0 : i32
      %sign3A_77 = arith.cmpi sgt, %add3A_36, %sign3A : i32
      %sign3A_78 = arith.extui %sign3A_77 : i1 to i32
      %sign3A_79 = arith.constant 0 : i32
      %sign3A_80 = arith.cmpi slt, %add3A_36, %sign3A_79 : i32
      %sign3A_81 = arith.extui %sign3A_80 : i1 to i32
      %sign3A_82 = arith.subi %sign3A_78, %sign3A_81 : i32
      %sign3A_83 = arith.constant 0 : i32
      %sign3A_84 = arith.cmpi sgt, %jit3A, %sign3A_83 : i32
      %sign3A_85 = arith.extui %sign3A_84 : i1 to i32
      %sign3A_86 = arith.constant 0 : i32
      %sign3A_87 = arith.cmpi slt, %jit3A, %sign3A_86 : i32
      %sign3A_88 = arith.extui %sign3A_87 : i1 to i32
      %sign3A_89 = arith.subi %sign3A_85, %sign3A_88 : i32
      %ne3A = arith.cmpi ne, %sign3A_82, %sign3A_89 : i32
      %rem3A = arith.remsi %add3A_36, %jit3A : i32
      %ne3A_90 = arith.constant 0 : i32
      %ne3A_91 = arith.cmpi ne, %rem3A, %ne3A_90 : i32
      %and3A = arith.andi %ne3A, %ne3A_91 : i1
      %sub3A = arith.constant 1 : i32
      %sub3A_92 = arith.subi %div3A, %sub3A : i32
      %select_n3A = arith.select %and3A, %sub3A_92, %div3A : i32
      %jit3A_93 = arith.constant 8 : i32
      %eq3A = arith.constant 0 : i32
      %eq3A_94 = arith.cmpi eq, %jit3A_93, %eq3A : i32
      %jit3A_95 = arith.constant 1 : i32
      %select_n3A_96 = arith.select %eq3A_94, %jit3A_95, %jit3A_93 : i32
      %rem3A_97 = arith.remsi %add3A_36, %select_n3A_96 : i32
      %ne3A_98 = arith.constant 0 : i32
      %ne3A_99 = arith.cmpi ne, %rem3A_97, %ne3A_98 : i32
      %lt3A_100 = arith.constant 0 : i32
      %lt3A_101 = arith.cmpi slt, %rem3A_97, %lt3A_100 : i32
      %lt3A_102 = arith.constant 0 : i32
      %lt3A_103 = arith.cmpi slt, %select_n3A_96, %lt3A_102 : i32
      %ne3A_104 = arith.xori %lt3A_101, %lt3A_103 : i1
      %and3A_105 = arith.andi %ne3A_104, %ne3A_99 : i1
      %add3A_106 = arith.addi %rem3A_97, %select_n3A_96 : i32
      %select_n3A_107 = arith.select %and3A_105, %add3A_106, %rem3A_97 : i32
      %lt3A_108 = arith.constant 12 : i32
      %lt3A_109 = arith.cmpi slt, %select_n3A, %lt3A_108 : i32
      %mul3A_110 = arith.constant 16 : i32
      %mul3A_111 = arith.muli %select_n3A, %mul3A_110 : i32
      %jit3A_112 = arith.constant 184 : i32
      %select_n3A_113 = arith.select %lt3A_109, %mul3A_111, %jit3A_112 : i32
      %mul3A_114 = arith.constant 2048 : i32
      %mul3A_115 = arith.muli %select_n3A_107, %mul3A_114 : i32
      %get3A = arith.index_cast %select_n3A_113 : i32 to index
      %get3A_116 = tpu.vector_load %arg5[%get3A] {strides = array<i32>} : memref<200xi32, #tpu.memory_space<vmem>>, vector<16xi32>,
      %dma_wait3A = arith.constant 0 : i32
      %dma_wait3A_117 = tpu.memref_slice %arg2[%dma_wait3A, %mul3A_115] : memref<1000x16384xf32, #tpu.memory_space<hbm>> -> memref<1000x2048xf32, #tpu.memory_space<hbm>>
      tpu.wait_indirect_dma semaphore(%arg10 : memref<!tpu.dma_semaphore, #tpu.memory_space<semaphore_mem>>) src(%dma_wait3A_117 : memref<1000x2048xf32, #tpu.memory_space<hbm>>) dst(%arg7 : memref<16x2048xf32, #tpu.memory_space<vmem>>)
      %jit3A_118 = arith.constant 8 : i32
      %div3A_119 = arith.divsi %add3A_36, %jit3A_118 : i32
      %sign3A_120 = arith.constant 0 : i32
      %sign3A_121 = arith.cmpi sgt, %add3A_36, %sign3A_120 : i32
      %sign3A_122 = arith.extui %sign3A_121 : i1 to i32
      %sign3A_123 = arith.constant 0 : i32
      %sign3A_124 = arith.cmpi slt, %add3A_36, %sign3A_123 : i32
      %sign3A_125 = arith.extui %sign3A_124 : i1 to i32
      %sign3A_126 = arith.subi %sign3A_122, %sign3A_125 : i32
      %sign3A_127 = arith.constant 0 : i32
      %sign3A_128 = arith.cmpi sgt, %jit3A_118, %sign3A_127 : i32
      %sign3A_129 = arith.extui %sign3A_128 : i1 to i32
      %sign3A_130 = arith.constant 0 : i32
      %sign3A_131 = arith.cmpi slt, %jit3A_118, %sign3A_130 : i32
      %sign3A_132 = arith.extui %sign3A_131 : i1 to i32
      %sign3A_133 = arith.subi %sign3A_129, %sign3A_132 : i32
      %ne3A_134 = arith.cmpi ne, %sign3A_126, %sign3A_133 : i32
      %rem3A_135 = arith.remsi %add3A_36, %jit3A_118 : i32
      %ne3A_136 = arith.constant 0 : i32
      %ne3A_137 = arith.cmpi ne, %rem3A_135, %ne3A_136 : i32
      %and3A_138 = arith.andi %ne3A_134, %ne3A_137 : i1
      %sub3A_139 = arith.constant 1 : i32
      %sub3A_140 = arith.subi %div3A_119, %sub3A_139 : i32
      %select_n3A_141 = arith.select %and3A_138, %sub3A_140, %div3A_119 : i32
      %jit3A_142 = arith.constant 8 : i32
      %eq3A_143 = arith.constant 0 : i32
      %eq3A_144 = arith.cmpi eq, %jit3A_142, %eq3A_143 : i32
      %jit3A_145 = arith.constant 1 : i32
      %select_n3A_146 = arith.select %eq3A_144, %jit3A_145, %jit3A_142 : i32
      %rem3A_147 = arith.remsi %add3A_36, %select_n3A_146 : i32
      %ne3A_148 = arith.constant 0 : i32
      %ne3A_149 = arith.cmpi ne, %rem3A_147, %ne3A_148 : i32
      %lt3A_150 = arith.constant 0 : i32
      %lt3A_151 = arith.cmpi slt, %rem3A_147, %lt3A_150 : i32
      %lt3A_152 = arith.constant 0 : i32
      %lt3A_153 = arith.cmpi slt, %select_n3A_146, %lt3A_152 : i32
      %ne3A_154 = arith.xori %lt3A_151, %lt3A_153 : i1
      %and3A_155 = arith.andi %ne3A_154, %ne3A_149 : i1
      %add3A_156 = arith.addi %rem3A_147, %select_n3A_146 : i32
      %select_n3A_157 = arith.select %and3A_155, %add3A_156, %rem3A_147 : i32
      %lt3A_158 = arith.constant 12 : i32
      %lt3A_159 = arith.cmpi slt, %select_n3A_141, %lt3A_158 : i32
      %mul3A_160 = arith.constant 16 : i32
      %mul3A_161 = arith.muli %select_n3A_141, %mul3A_160 : i32
      %jit3A_162 = arith.constant 184 : i32
      %select_n3A_163 = arith.select %lt3A_159, %mul3A_161, %jit3A_162 : i32
      %mul3A_164 = arith.constant 2048 : i32
      %mul3A_165 = arith.muli %select_n3A_157, %mul3A_164 : i32
      %dma_start3A = tpu.memref_slice %arg4[%select_n3A_163, %mul3A_165] : memref<200x16384xf32, #tpu.memory_space<hbm>> -> memref<16x2048xf32, #tpu.memory_space<hbm>>
      %dma_start3A_166 = tpu.memref_slice %arg4[%select_n3A_163, %mul3A_165] : memref<200x16384xf32, #tpu.memory_space<hbm>> -> memref<16x2048xf32, #tpu.memory_space<hbm>>
      tpu.enqueue_dma source(%arg7 : memref<16x2048xf32, #tpu.memory_space<vmem>>) target(%dma_start3A_166 : memref<16x2048xf32, #tpu.memory_space<hbm>>) target_semaphore(%arg13 : memref<!tpu.dma_semaphore, #tpu.memory_space<semaphore_mem>>)
    } else {
    }
    %add3A_42 = arith.constant 64 : i32
    %add3A_43 = arith.addi %add3A, %add3A_42 : i32
    %lt3A_44 = arith.constant 104 : i32
    %lt3A_45 = arith.cmpi slt, %add3A_43, %lt3A_44 : i32
    %convert_element_type3A_46 = arith.extui %lt3A_45 : i1 to i32
    %cond3A_47 = arith.constant 0 : i32
    %cond3A_48 = arith.cmpi ne, %convert_element_type3A_46, %cond3A_47 : i32
    scf.if %cond3A_48 {
      %jit3A = arith.constant 8 : i32
      %div3A = arith.divsi %add3A_43, %jit3A : i32
      %sign3A = arith.constant 0 : i32
      %sign3A_77 = arith.cmpi sgt, %add3A_43, %sign3A : i32
      %sign3A_78 = arith.extui %sign3A_77 : i1 to i32
      %sign3A_79 = arith.constant 0 : i32
      %sign3A_80 = arith.cmpi slt, %add3A_43, %sign3A_79 : i32
      %sign3A_81 = arith.extui %sign3A_80 : i1 to i32
      %sign3A_82 = arith.subi %sign3A_78, %sign3A_81 : i32
      %sign3A_83 = arith.constant 0 : i32
      %sign3A_84 = arith.cmpi sgt, %jit3A, %sign3A_83 : i32
      %sign3A_85 = arith.extui %sign3A_84 : i1 to i32
      %sign3A_86 = arith.constant 0 : i32
      %sign3A_87 = arith.cmpi slt, %jit3A, %sign3A_86 : i32
      %sign3A_88 = arith.extui %sign3A_87 : i1 to i32
      %sign3A_89 = arith.subi %sign3A_85, %sign3A_88 : i32
      %ne3A = arith.cmpi ne, %sign3A_82, %sign3A_89 : i32
      %rem3A = arith.remsi %add3A_43, %jit3A : i32
      %ne3A_90 = arith.constant 0 : i32
      %ne3A_91 = arith.cmpi ne, %rem3A, %ne3A_90 : i32
      %and3A = arith.andi %ne3A, %ne3A_91 : i1
      %sub3A = arith.constant 1 : i32
      %sub3A_92 = arith.subi %div3A, %sub3A : i32
      %select_n3A = arith.select %and3A, %sub3A_92, %div3A : i32
      %jit3A_93 = arith.constant 8 : i32
      %eq3A = arith.constant 0 : i32
      %eq3A_94 = arith.cmpi eq, %jit3A_93, %eq3A : i32
      %jit3A_95 = arith.constant 1 : i32
      %select_n3A_96 = arith.select %eq3A_94, %jit3A_95, %jit3A_93 : i32
      %rem3A_97 = arith.remsi %add3A_43, %select_n3A_96 : i32
      %ne3A_98 = arith.constant 0 : i32
      %ne3A_99 = arith.cmpi ne, %rem3A_97, %ne3A_98 : i32
      %lt3A_100 = arith.constant 0 : i32
      %lt3A_101 = arith.cmpi slt, %rem3A_97, %lt3A_100 : i32
      %lt3A_102 = arith.constant 0 : i32
      %lt3A_103 = arith.cmpi slt, %select_n3A_96, %lt3A_102 : i32
      %ne3A_104 = arith.xori %lt3A_101, %lt3A_103 : i1
      %and3A_105 = arith.andi %ne3A_104, %ne3A_99 : i1
      %add3A_106 = arith.addi %rem3A_97, %select_n3A_96 : i32
      %select_n3A_107 = arith.select %and3A_105, %add3A_106, %rem3A_97 : i32
      %lt3A_108 = arith.constant 12 : i32
      %lt3A_109 = arith.cmpi slt, %select_n3A, %lt3A_108 : i32
      %mul3A_110 = arith.constant 16 : i32
      %mul3A_111 = arith.muli %select_n3A, %mul3A_110 : i32
      %jit3A_112 = arith.constant 184 : i32
      %select_n3A_113 = arith.select %lt3A_109, %mul3A_111, %jit3A_112 : i32
      %mul3A_114 = arith.constant 2048 : i32
      %mul3A_115 = arith.muli %select_n3A_107, %mul3A_114 : i32
      %get3A = arith.index_cast %select_n3A_113 : i32 to index
      %get3A_116 = tpu.vector_load %arg5[%get3A] {strides = array<i32>} : memref<200xi32, #tpu.memory_space<vmem>>, vector<16xi32>,
      %dma_wait3A = arith.constant 0 : i32
      %dma_wait3A_117 = tpu.memref_slice %arg2[%dma_wait3A, %mul3A_115] : memref<1000x16384xf32, #tpu.memory_space<hbm>> -> memref<1000x2048xf32, #tpu.memory_space<hbm>>
      tpu.wait_indirect_dma semaphore(%arg11 : memref<!tpu.dma_semaphore, #tpu.memory_space<semaphore_mem>>) src(%dma_wait3A_117 : memref<1000x2048xf32, #tpu.memory_space<hbm>>) dst(%arg8 : memref<16x2048xf32, #tpu.memory_space<vmem>>)
      %jit3A_118 = arith.constant 8 : i32
      %div3A_119 = arith.divsi %add3A_43, %jit3A_118 : i32
      %sign3A_120 = arith.constant 0 : i32
      %sign3A_121 = arith.cmpi sgt, %add3A_43, %sign3A_120 : i32
      %sign3A_122 = arith.extui %sign3A_121 : i1 to i32
      %sign3A_123 = arith.constant 0 : i32
      %sign3A_124 = arith.cmpi slt, %add3A_43, %sign3A_123 : i32
      %sign3A_125 = arith.extui %sign3A_124 : i1 to i32
      %sign3A_126 = arith.subi %sign3A_122, %sign3A_125 : i32
      %sign3A_127 = arith.constant 0 : i32
      %sign3A_128 = arith.cmpi sgt, %jit3A_118, %sign3A_127 : i32
      %sign3A_129 = arith.extui %sign3A_128 : i1 to i32
      %sign3A_130 = arith.constant 0 : i32
      %sign3A_131 = arith.cmpi slt, %jit3A_118, %sign3A_130 : i32
      %sign3A_132 = arith.extui %sign3A_131 : i1 to i32
      %sign3A_133 = arith.subi %sign3A_129, %sign3A_132 : i32
      %ne3A_134 = arith.cmpi ne, %sign3A_126, %sign3A_133 : i32
      %rem3A_135 = arith.remsi %add3A_43, %jit3A_118 : i32
      %ne3A_136 = arith.constant 0 : i32
      %ne3A_137 = arith.cmpi ne, %rem3A_135, %ne3A_136 : i32
      %and3A_138 = arith.andi %ne3A_134, %ne3A_137 : i1
      %sub3A_139 = arith.constant 1 : i32
      %sub3A_140 = arith.subi %div3A_119, %sub3A_139 : i32
      %select_n3A_141 = arith.select %and3A_138, %sub3A_140, %div3A_119 : i32
      %jit3A_142 = arith.constant 8 : i32
      %eq3A_143 = arith.constant 0 : i32
      %eq3A_144 = arith.cmpi eq, %jit3A_142, %eq3A_143 : i32
      %jit3A_145 = arith.constant 1 : i32
      %select_n3A_146 = arith.select %eq3A_144, %jit3A_145, %jit3A_142 : i32
      %rem3A_147 = arith.remsi %add3A_43, %select_n3A_146 : i32
      %ne3A_148 = arith.constant 0 : i32
      %ne3A_149 = arith.cmpi ne, %rem3A_147, %ne3A_148 : i32
      %lt3A_150 = arith.constant 0 : i32
      %lt3A_151 = arith.cmpi slt, %rem3A_147, %lt3A_150 : i32
      %lt3A_152 = arith.constant 0 : i32
      %lt3A_153 = arith.cmpi slt, %select_n3A_146, %lt3A_152 : i32
      %ne3A_154 = arith.xori %lt3A_151, %lt3A_153 : i1
      %and3A_155 = arith.andi %ne3A_154, %ne3A_149 : i1
      %add3A_156 = arith.addi %rem3A_147, %select_n3A_146 : i32
      %select_n3A_157 = arith.select %and3A_155, %add3A_156, %rem3A_147 : i32
      %lt3A_158 = arith.constant 12 : i32
      %lt3A_159 = arith.cmpi slt, %select_n3A_141, %lt3A_158 : i32
      %mul3A_160 = arith.constant 16 : i32
      %mul3A_161 = arith.muli %select_n3A_141, %mul3A_160 : i32
      %jit3A_162 = arith.constant 184 : i32
      %select_n3A_163 = arith.select %lt3A_159, %mul3A_161, %jit3A_162 : i32
      %mul3A_164 = arith.constant 2048 : i32
      %mul3A_165 = arith.muli %select_n3A_157, %mul3A_164 : i32
      %dma_start3A = tpu.memref_slice %arg4[%select_n3A_163, %mul3A_165] : memref<200x16384xf32, #tpu.memory_space<hbm>> -> memref<16x2048xf32, #tpu.memory_space<hbm>>
      %dma_start3A_166 = tpu.memref_slice %arg4[%select_n3A_163, %mul3A_165] : memref<200x16384xf32, #tpu.memory_space<hbm>> -> memref<16x2048xf32, #tpu.memory_space<hbm>>
      tpu.enqueue_dma source(%arg8 : memref<16x2048xf32, #tpu.memory_space<vmem>>) target(%dma_start3A_166 : memref<16x2048xf32, #tpu.memory_space<hbm>>) target_semaphore(%arg14 : memref<!tpu.dma_semaphore, #tpu.memory_space<semaphore_mem>>)
    } else {
    }
    %add3A_49 = arith.constant 96 : i32
    %add3A_50 = arith.addi %add3A, %add3A_49 : i32
    %lt3A_51 = arith.constant 104 : i32
    %lt3A_52 = arith.cmpi slt, %add3A_50, %lt3A_51 : i32
    %convert_element_type3A_53 = arith.extui %lt3A_52 : i1 to i32
    %cond3A_54 = arith.constant 0 : i32
    %cond3A_55 = arith.cmpi ne, %convert_element_type3A_53, %cond3A_54 : i32
    scf.if %cond3A_55 {
      %jit3A = arith.constant 8 : i32
      %div3A = arith.divsi %add3A_50, %jit3A : i32
      %sign3A = arith.constant 0 : i32
      %sign3A_77 = arith.cmpi sgt, %add3A_50, %sign3A : i32
      %sign3A_78 = arith.extui %sign3A_77 : i1 to i32
      %sign3A_79 = arith.constant 0 : i32
      %sign3A_80 = arith.cmpi slt, %add3A_50, %sign3A_79 : i32
      %sign3A_81 = arith.extui %sign3A_80 : i1 to i32
      %sign3A_82 = arith.subi %sign3A_78, %sign3A_81 : i32
      %sign3A_83 = arith.constant 0 : i32
      %sign3A_84 = arith.cmpi sgt, %jit3A, %sign3A_83 : i32
      %sign3A_85 = arith.extui %sign3A_84 : i1 to i32
      %sign3A_86 = arith.constant 0 : i32
      %sign3A_87 = arith.cmpi slt, %jit3A, %sign3A_86 : i32
      %sign3A_88 = arith.extui %sign3A_87 : i1 to i32
      %sign3A_89 = arith.subi %sign3A_85, %sign3A_88 : i32
      %ne3A = arith.cmpi ne, %sign3A_82, %sign3A_89 : i32
      %rem3A = arith.remsi %add3A_50, %jit3A : i32
      %ne3A_90 = arith.constant 0 : i32
      %ne3A_91 = arith.cmpi ne, %rem3A, %ne3A_90 : i32
      %and3A = arith.andi %ne3A, %ne3A_91 : i1
      %sub3A = arith.constant 1 : i32
      %sub3A_92 = arith.subi %div3A, %sub3A : i32
      %select_n3A = arith.select %and3A, %sub3A_92, %div3A : i32
      %jit3A_93 = arith.constant 8 : i32
      %eq3A = arith.constant 0 : i32
      %eq3A_94 = arith.cmpi eq, %jit3A_93, %eq3A : i32
      %jit3A_95 = arith.constant 1 : i32
      %select_n3A_96 = arith.select %eq3A_94, %jit3A_95, %jit3A_93 : i32
      %rem3A_97 = arith.remsi %add3A_50, %select_n3A_96 : i32
      %ne3A_98 = arith.constant 0 : i32
      %ne3A_99 = arith.cmpi ne, %rem3A_97, %ne3A_98 : i32
      %lt3A_100 = arith.constant 0 : i32
      %lt3A_101 = arith.cmpi slt, %rem3A_97, %lt3A_100 : i32
      %lt3A_102 = arith.constant 0 : i32
      %lt3A_103 = arith.cmpi slt, %select_n3A_96, %lt3A_102 : i32
      %ne3A_104 = arith.xori %lt3A_101, %lt3A_103 : i1
      %and3A_105 = arith.andi %ne3A_104, %ne3A_99 : i1
      %add3A_106 = arith.addi %rem3A_97, %select_n3A_96 : i32
      %select_n3A_107 = arith.select %and3A_105, %add3A_106, %rem3A_97 : i32
      %lt3A_108 = arith.constant 12 : i32
      %lt3A_109 = arith.cmpi slt, %select_n3A, %lt3A_108 : i32
      %mul3A_110 = arith.constant 16 : i32
      %mul3A_111 = arith.muli %select_n3A, %mul3A_110 : i32
      %jit3A_112 = arith.constant 184 : i32
      %select_n3A_113 = arith.select %lt3A_109, %mul3A_111, %jit3A_112 : i32
      %mul3A_114 = arith.constant 2048 : i32
      %mul3A_115 = arith.muli %select_n3A_107, %mul3A_114 : i32
      %get3A = arith.index_cast %select_n3A_113 : i32 to index
      %get3A_116 = tpu.vector_load %arg5[%get3A] {strides = array<i32>} : memref<200xi32, #tpu.memory_space<vmem>>, vector<16xi32>,
      %dma_wait3A = arith.constant 0 : i32
      %dma_wait3A_117 = tpu.memref_slice %arg2[%dma_wait3A, %mul3A_115] : memref<1000x16384xf32, #tpu.memory_space<hbm>> -> memref<1000x2048xf32, #tpu.memory_space<hbm>>
      tpu.wait_indirect_dma semaphore(%arg9 : memref<!tpu.dma_semaphore, #tpu.memory_space<semaphore_mem>>) src(%dma_wait3A_117 : memref<1000x2048xf32, #tpu.memory_space<hbm>>) dst(%arg6 : memref<16x2048xf32, #tpu.memory_space<vmem>>)
      %jit3A_118 = arith.constant 8 : i32
      %div3A_119 = arith.divsi %add3A_50, %jit3A_118 : i32
      %sign3A_120 = arith.constant 0 : i32
      %sign3A_121 = arith.cmpi sgt, %add3A_50, %sign3A_120 : i32
      %sign3A_122 = arith.extui %sign3A_121 : i1 to i32
      %sign3A_123 = arith.constant 0 : i32
      %sign3A_124 = arith.cmpi slt, %add3A_50, %sign3A_123 : i32
      %sign3A_125 = arith.extui %sign3A_124 : i1 to i32
      %sign3A_126 = arith.subi %sign3A_122, %sign3A_125 : i32
      %sign3A_127 = arith.constant 0 : i32
      %sign3A_128 = arith.cmpi sgt, %jit3A_118, %sign3A_127 : i32
      %sign3A_129 = arith.extui %sign3A_128 : i1 to i32
      %sign3A_130 = arith.constant 0 : i32
      %sign3A_131 = arith.cmpi slt, %jit3A_118, %sign3A_130 : i32
      %sign3A_132 = arith.extui %sign3A_131 : i1 to i32
      %sign3A_133 = arith.subi %sign3A_129, %sign3A_132 : i32
      %ne3A_134 = arith.cmpi ne, %sign3A_126, %sign3A_133 : i32
      %rem3A_135 = arith.remsi %add3A_50, %jit3A_118 : i32
      %ne3A_136 = arith.constant 0 : i32
      %ne3A_137 = arith.cmpi ne, %rem3A_135, %ne3A_136 : i32
      %and3A_138 = arith.andi %ne3A_134, %ne3A_137 : i1
      %sub3A_139 = arith.constant 1 : i32
      %sub3A_140 = arith.subi %div3A_119, %sub3A_139 : i32
      %select_n3A_141 = arith.select %and3A_138, %sub3A_140, %div3A_119 : i32
      %jit3A_142 = arith.constant 8 : i32
      %eq3A_143 = arith.constant 0 : i32
      %eq3A_144 = arith.cmpi eq, %jit3A_142, %eq3A_143 : i32
      %jit3A_145 = arith.constant 1 : i32
      %select_n3A_146 = arith.select %eq3A_144, %jit3A_145, %jit3A_142 : i32
      %rem3A_147 = arith.remsi %add3A_50, %select_n3A_146 : i32
      %ne3A_148 = arith.constant 0 : i32
      %ne3A_149 = arith.cmpi ne, %rem3A_147, %ne3A_148 : i32
      %lt3A_150 = arith.constant 0 : i32
      %lt3A_151 = arith.cmpi slt, %rem3A_147, %lt3A_150 : i32
      %lt3A_152 = arith.constant 0 : i32
      %lt3A_153 = arith.cmpi slt, %select_n3A_146, %lt3A_152 : i32
      %ne3A_154 = arith.xori %lt3A_151, %lt3A_153 : i1
      %and3A_155 = arith.andi %ne3A_154, %ne3A_149 : i1
      %add3A_156 = arith.addi %rem3A_147, %select_n3A_146 : i32
      %select_n3A_157 = arith.select %and3A_155, %add3A_156, %rem3A_147 : i32
      %lt3A_158 = arith.constant 12 : i32
      %lt3A_159 = arith.cmpi slt, %select_n3A_141, %lt3A_158 : i32
      %mul3A_160 = arith.constant 16 : i32
      %mul3A_161 = arith.muli %select_n3A_141, %mul3A_160 : i32
      %jit3A_162 = arith.constant 184 : i32
      %select_n3A_163 = arith.select %lt3A_159, %mul3A_161, %jit3A_162 : i32
      %mul3A_164 = arith.constant 2048 : i32
      %mul3A_165 = arith.muli %select_n3A_157, %mul3A_164 : i32
      %dma_start3A = tpu.memref_slice %arg4[%select_n3A_163, %mul3A_165] : memref<200x16384xf32, #tpu.memory_space<hbm>> -> memref<16x2048xf32, #tpu.memory_space<hbm>>
      %dma_start3A_166 = tpu.memref_slice %arg4[%select_n3A_163, %mul3A_165] : memref<200x16384xf32, #tpu.memory_space<hbm>> -> memref<16x2048xf32, #tpu.memory_space<hbm>>
      tpu.enqueue_dma source(%arg6 : memref<16x2048xf32, #tpu.memory_space<vmem>>) target(%dma_start3A_166 : memref<16x2048xf32, #tpu.memory_space<hbm>>) target_semaphore(%arg12 : memref<!tpu.dma_semaphore, #tpu.memory_space<semaphore_mem>>)
    } else {
    }
    %add3A_56 = arith.constant 32 : i32
    %add3A_57 = arith.addi %add3A, %add3A_56 : i32
    %lt3A_58 = arith.constant 104 : i32
    %lt3A_59 = arith.cmpi slt, %add3A_57, %lt3A_58 : i32
    %convert_element_type3A_60 = arith.extui %lt3A_59 : i1 to i32
    %cond3A_61 = arith.constant 0 : i32
    %cond3A_62 = arith.cmpi ne, %convert_element_type3A_60, %cond3A_61 : i32
    scf.if %cond3A_62 {
      %jit3A = arith.constant 8 : i32
      %div3A = arith.divsi %add3A_57, %jit3A : i32
      %sign3A = arith.constant 0 : i32
      %sign3A_77 = arith.cmpi sgt, %add3A_57, %sign3A : i32
      %sign3A_78 = arith.extui %sign3A_77 : i1 to i32
      %sign3A_79 = arith.constant 0 : i32
      %sign3A_80 = arith.cmpi slt, %add3A_57, %sign3A_79 : i32
      %sign3A_81 = arith.extui %sign3A_80 : i1 to i32
      %sign3A_82 = arith.subi %sign3A_78, %sign3A_81 : i32
      %sign3A_83 = arith.constant 0 : i32
      %sign3A_84 = arith.cmpi sgt, %jit3A, %sign3A_83 : i32
      %sign3A_85 = arith.extui %sign3A_84 : i1 to i32
      %sign3A_86 = arith.constant 0 : i32
      %sign3A_87 = arith.cmpi slt, %jit3A, %sign3A_86 : i32
      %sign3A_88 = arith.extui %sign3A_87 : i1 to i32
      %sign3A_89 = arith.subi %sign3A_85, %sign3A_88 : i32
      %ne3A = arith.cmpi ne, %sign3A_82, %sign3A_89 : i32
      %rem3A = arith.remsi %add3A_57, %jit3A : i32
      %ne3A_90 = arith.constant 0 : i32
      %ne3A_91 = arith.cmpi ne, %rem3A, %ne3A_90 : i32
      %and3A = arith.andi %ne3A, %ne3A_91 : i1
      %sub3A = arith.constant 1 : i32
      %sub3A_92 = arith.subi %div3A, %sub3A : i32
      %select_n3A = arith.select %and3A, %sub3A_92, %div3A : i32
      %jit3A_93 = arith.constant 8 : i32
      %eq3A = arith.constant 0 : i32
      %eq3A_94 = arith.cmpi eq, %jit3A_93, %eq3A : i32
      %jit3A_95 = arith.constant 1 : i32
      %select_n3A_96 = arith.select %eq3A_94, %jit3A_95, %jit3A_93 : i32
      %rem3A_97 = arith.remsi %add3A_57, %select_n3A_96 : i32
      %ne3A_98 = arith.constant 0 : i32
      %ne3A_99 = arith.cmpi ne, %rem3A_97, %ne3A_98 : i32
      %lt3A_100 = arith.constant 0 : i32
      %lt3A_101 = arith.cmpi slt, %rem3A_97, %lt3A_100 : i32
      %lt3A_102 = arith.constant 0 : i32
      %lt3A_103 = arith.cmpi slt, %select_n3A_96, %lt3A_102 : i32
      %ne3A_104 = arith.xori %lt3A_101, %lt3A_103 : i1
      %and3A_105 = arith.andi %ne3A_104, %ne3A_99 : i1
      %add3A_106 = arith.addi %rem3A_97, %select_n3A_96 : i32
      %select_n3A_107 = arith.select %and3A_105, %add3A_106, %rem3A_97 : i32
      %lt3A_108 = arith.constant 12 : i32
      %lt3A_109 = arith.cmpi slt, %select_n3A, %lt3A_108 : i32
      %mul3A_110 = arith.constant 16 : i32
      %mul3A_111 = arith.muli %select_n3A, %mul3A_110 : i32
      %jit3A_112 = arith.constant 184 : i32
      %select_n3A_113 = arith.select %lt3A_109, %mul3A_111, %jit3A_112 : i32
      %mul3A_114 = arith.constant 2048 : i32
      %mul3A_115 = arith.muli %select_n3A_107, %mul3A_114 : i32
      %dma_wait3A = tpu.memref_slice %arg4[%select_n3A_113, %mul3A_115] : memref<200x16384xf32, #tpu.memory_space<hbm>> -> memref<16x2048xf32, #tpu.memory_space<hbm>>
      %dma_wait3A_116 = tpu.memref_slice %arg4[%select_n3A_113, %mul3A_115] : memref<200x16384xf32, #tpu.memory_space<hbm>> -> memref<16x2048xf32, #tpu.memory_space<hbm>>
      tpu.wait_dma2 semaphore(%arg13 : memref<!tpu.dma_semaphore, #tpu.memory_space<semaphore_mem>>) src(%arg7 : memref<16x2048xf32, #tpu.memory_space<vmem>>) dst(%dma_wait3A_116 : memref<16x2048xf32, #tpu.memory_space<hbm>>)
    } else {
    }
    %add3A_63 = arith.constant 64 : i32
    %add3A_64 = arith.addi %add3A, %add3A_63 : i32
    %lt3A_65 = arith.constant 104 : i32
    %lt3A_66 = arith.cmpi slt, %add3A_64, %lt3A_65 : i32
    %convert_element_type3A_67 = arith.extui %lt3A_66 : i1 to i32
    %cond3A_68 = arith.constant 0 : i32
    %cond3A_69 = arith.cmpi ne, %convert_element_type3A_67, %cond3A_68 : i32
    scf.if %cond3A_69 {
      %jit3A = arith.constant 8 : i32
      %div3A = arith.divsi %add3A_64, %jit3A : i32
      %sign3A = arith.constant 0 : i32
      %sign3A_77 = arith.cmpi sgt, %add3A_64, %sign3A : i32
      %sign3A_78 = arith.extui %sign3A_77 : i1 to i32
      %sign3A_79 = arith.constant 0 : i32
      %sign3A_80 = arith.cmpi slt, %add3A_64, %sign3A_79 : i32
      %sign3A_81 = arith.extui %sign3A_80 : i1 to i32
      %sign3A_82 = arith.subi %sign3A_78, %sign3A_81 : i32
      %sign3A_83 = arith.constant 0 : i32
      %sign3A_84 = arith.cmpi sgt, %jit3A, %sign3A_83 : i32
      %sign3A_85 = arith.extui %sign3A_84 : i1 to i32
      %sign3A_86 = arith.constant 0 : i32
      %sign3A_87 = arith.cmpi slt, %jit3A, %sign3A_86 : i32
      %sign3A_88 = arith.extui %sign3A_87 : i1 to i32
      %sign3A_89 = arith.subi %sign3A_85, %sign3A_88 : i32
      %ne3A = arith.cmpi ne, %sign3A_82, %sign3A_89 : i32
      %rem3A = arith.remsi %add3A_64, %jit3A : i32
      %ne3A_90 = arith.constant 0 : i32
      %ne3A_91 = arith.cmpi ne, %rem3A, %ne3A_90 : i32
      %and3A = arith.andi %ne3A, %ne3A_91 : i1
      %sub3A = arith.constant 1 : i32
      %sub3A_92 = arith.subi %div3A, %sub3A : i32
      %select_n3A = arith.select %and3A, %sub3A_92, %div3A : i32
      %jit3A_93 = arith.constant 8 : i32
      %eq3A = arith.constant 0 : i32
      %eq3A_94 = arith.cmpi eq, %jit3A_93, %eq3A : i32
      %jit3A_95 = arith.constant 1 : i32
      %select_n3A_96 = arith.select %eq3A_94, %jit3A_95, %jit3A_93 : i32
      %rem3A_97 = arith.remsi %add3A_64, %select_n3A_96 : i32
      %ne3A_98 = arith.constant 0 : i32
      %ne3A_99 = arith.cmpi ne, %rem3A_97, %ne3A_98 : i32
      %lt3A_100 = arith.constant 0 : i32
      %lt3A_101 = arith.cmpi slt, %rem3A_97, %lt3A_100 : i32
      %lt3A_102 = arith.constant 0 : i32
      %lt3A_103 = arith.cmpi slt, %select_n3A_96, %lt3A_102 : i32
      %ne3A_104 = arith.xori %lt3A_101, %lt3A_103 : i1
      %and3A_105 = arith.andi %ne3A_104, %ne3A_99 : i1
      %add3A_106 = arith.addi %rem3A_97, %select_n3A_96 : i32
      %select_n3A_107 = arith.select %and3A_105, %add3A_106, %rem3A_97 : i32
      %lt3A_108 = arith.constant 12 : i32
      %lt3A_109 = arith.cmpi slt, %select_n3A, %lt3A_108 : i32
      %mul3A_110 = arith.constant 16 : i32
      %mul3A_111 = arith.muli %select_n3A, %mul3A_110 : i32
      %jit3A_112 = arith.constant 184 : i32
      %select_n3A_113 = arith.select %lt3A_109, %mul3A_111, %jit3A_112 : i32
      %mul3A_114 = arith.constant 2048 : i32
      %mul3A_115 = arith.muli %select_n3A_107, %mul3A_114 : i32
      %dma_wait3A = tpu.memref_slice %arg4[%select_n3A_113, %mul3A_115] : memref<200x16384xf32, #tpu.memory_space<hbm>> -> memref<16x2048xf32, #tpu.memory_space<hbm>>
      %dma_wait3A_116 = tpu.memref_slice %arg4[%select_n3A_113, %mul3A_115] : memref<200x16384xf32, #tpu.memory_space<hbm>> -> memref<16x2048xf32, #tpu.memory_space<hbm>>
      tpu.wait_dma2 semaphore(%arg14 : memref<!tpu.dma_semaphore, #tpu.memory_space<semaphore_mem>>) src(%arg8 : memref<16x2048xf32, #tpu.memory_space<vmem>>) dst(%dma_wait3A_116 : memref<16x2048xf32, #tpu.memory_space<hbm>>)
    } else {
    }
    %add3A_70 = arith.constant 96 : i32
    %add3A_71 = arith.addi %add3A, %add3A_70 : i32
    %lt3A_72 = arith.constant 104 : i32
    %lt3A_73 = arith.cmpi slt, %add3A_71, %lt3A_72 : i32
    %convert_element_type3A_74 = arith.extui %lt3A_73 : i1 to i32
    %cond3A_75 = arith.constant 0 : i32
    %cond3A_76 = arith.cmpi ne, %convert_element_type3A_74, %cond3A_75 : i32
    scf.if %cond3A_76 {
      %jit3A = arith.constant 8 : i32
      %div3A = arith.divsi %add3A_71, %jit3A : i32
      %sign3A = arith.constant 0 : i32
      %sign3A_77 = arith.cmpi sgt, %add3A_71, %sign3A : i32
      %sign3A_78 = arith.extui %sign3A_77 : i1 to i32
      %sign3A_79 = arith.constant 0 : i32
      %sign3A_80 = arith.cmpi slt, %add3A_71, %sign3A_79 : i32
      %sign3A_81 = arith.extui %sign3A_80 : i1 to i32
      %sign3A_82 = arith.subi %sign3A_78, %sign3A_81 : i32
      %sign3A_83 = arith.constant 0 : i32
      %sign3A_84 = arith.cmpi sgt, %jit3A, %sign3A_83 : i32
      %sign3A_85 = arith.extui %sign3A_84 : i1 to i32
      %sign3A_86 = arith.constant 0 : i32
      %sign3A_87 = arith.cmpi slt, %jit3A, %sign3A_86 : i32
      %sign3A_88 = arith.extui %sign3A_87 : i1 to i32
      %sign3A_89 = arith.subi %sign3A_85, %sign3A_88 : i32
      %ne3A = arith.cmpi ne, %sign3A_82, %sign3A_89 : i32
      %rem3A = arith.remsi %add3A_71, %jit3A : i32
      %ne3A_90 = arith.constant 0 : i32
      %ne3A_91 = arith.cmpi ne, %rem3A, %ne3A_90 : i32
      %and3A = arith.andi %ne3A, %ne3A_91 : i1
      %sub3A = arith.constant 1 : i32
      %sub3A_92 = arith.subi %div3A, %sub3A : i32
      %select_n3A = arith.select %and3A, %sub3A_92, %div3A : i32
      %jit3A_93 = arith.constant 8 : i32
      %eq3A = arith.constant 0 : i32
      %eq3A_94 = arith.cmpi eq, %jit3A_93, %eq3A : i32
      %jit3A_95 = arith.constant 1 : i32
      %select_n3A_96 = arith.select %eq3A_94, %jit3A_95, %jit3A_93 : i32
      %rem3A_97 = arith.remsi %add3A_71, %select_n3A_96 : i32
      %ne3A_98 = arith.constant 0 : i32
      %ne3A_99 = arith.cmpi ne, %rem3A_97, %ne3A_98 : i32
      %lt3A_100 = arith.constant 0 : i32
      %lt3A_101 = arith.cmpi slt, %rem3A_97, %lt3A_100 : i32
      %lt3A_102 = arith.constant 0 : i32
      %lt3A_103 = arith.cmpi slt, %select_n3A_96, %lt3A_102 : i32
      %ne3A_104 = arith.xori %lt3A_101, %lt3A_103 : i1
      %and3A_105 = arith.andi %ne3A_104, %ne3A_99 : i1
      %add3A_106 = arith.addi %rem3A_97, %select_n3A_96 : i32
      %select_n3A_107 = arith.select %and3A_105, %add3A_106, %rem3A_97 : i32
      %lt3A_108 = arith.constant 12 : i32
      %lt3A_109 = arith.cmpi slt, %select_n3A, %lt3A_108 : i32
      %mul3A_110 = arith.constant 16 : i32
      %mul3A_111 = arith.muli %select_n3A, %mul3A_110 : i32
      %jit3A_112 = arith.constant 184 : i32
      %select_n3A_113 = arith.select %lt3A_109, %mul3A_111, %jit3A_112 : i32
      %mul3A_114 = arith.constant 2048 : i32
      %mul3A_115 = arith.muli %select_n3A_107, %mul3A_114 : i32
      %dma_wait3A = tpu.memref_slice %arg4[%select_n3A_113, %mul3A_115] : memref<200x16384xf32, #tpu.memory_space<hbm>> -> memref<16x2048xf32, #tpu.memory_space<hbm>>
      %dma_wait3A_116 = tpu.memref_slice %arg4[%select_n3A_113, %mul3A_115] : memref<200x16384xf32, #tpu.memory_space<hbm>> -> memref<16x2048xf32, #tpu.memory_space<hbm>>
      tpu.wait_dma2 semaphore(%arg12 : memref<!tpu.dma_semaphore, #tpu.memory_space<semaphore_mem>>) src(%arg6 : memref<16x2048xf32, #tpu.memory_space<vmem>>) dst(%dma_wait3A_116 : memref<16x2048xf32, #tpu.memory_space<hbm>>)
    } else {
    }
    return
  }
}

</mosaic_0001>

<sc_bundles>
// kernel: kernel.3.cloned.1.call-start
scs
__scs_entry_jumppad:
0x0: {  	(pc) =	sbr.rel $0x88, $3  }
0x1: {  	(tag) =	ssettag $0x0;
	lr =	simm.s32 $0x1  }
0x2: {  	[smem:$0x3F9F] =	sst lr;
	_ =	strace $0xD0000000  }
0x3: {  	_ = 	snop  }
0x4: {  	_ = 	snop  }
0x5: {  	_ = 	snop  }
0x6: {  	_ = 	snop  }
0x7: {  	_ = 	snop  }
__scs_overlays_trampoline_lowered:
0x8: {  	[smem:$0x3FAE] =	sst s0  }
0x9: {  	[smem:$0x3FAF] =	sst s1  }
0xa: {  	[smem:$0x3FB0] =	sst s2  }
0xb: {  	[smem:$0x3FB1] =	sst s3  }
0xc: {  	[smem:$0x3FB2] =	sst s4  }
0xd: {  	[smem:$0x3FB3] =	sst s5  }
0xe: {  	[smem:$0x3FB4] =	sst s6  }
0xf: {  	[smem:$0x3FB5] =	sst s7  }
0x10: {  	[smem:$0x3FB6] =	sst s8  }
0x11: {  	[smem:$0x3FB7] =	sst s9;
	s0 =	simm.s32 @!p0 $0x0  }
0x12: {  	s1 =	sld [smem:$0x3F9D];
	s0 =	simm.s32 @p0 $0x1  }
0x13: {  	[smem:$0x3FB8] =	sst s0;
	s0 =	simm.s32 @!p1 $0x0  }
0x14: {  	s2 =	sld [smem:$0x3F9C];
	s0 =	simm.s32 @p1 $0x1  }
0x15: {  	[smem:$0x3FB9] =	sst s0;
	s0 =	simm.s32 @!p2 $0x0  }
0x16: {  	s3 =	sld [smem:$0x3FDB];
	s0 =	simm.s32 @p2 $0x1  }
0x17: {  	s4 =	simm.s32 $0x1BF5;
	[smem:$0x3FBB] =	sst s0  }
0x18: {  	s0 =	sld [smem:$0x3F9E];
	_ =	swait.ge [sflag:s4], $0x0  }
0x19: {  	s7 =	sld [smem:$0x3F9F]  }
0x1a: {  	s8 =	sadd.s32 $0xFFFFE003, lr  }
0x1b: {  	s9 =	sadd.s32 $0xFFFFFEF7, lr;
	s5 =	simm.s32 $0xFFFFFFFF;
	p2 =	slt.u32 s8, $0xFFFFF086  }
0x1c: {  	p1 =	slt.u32 s9, $0xF7A;
	s5 =	simm.s32 @!p2 $0x0  }
0x1d: {  	s5 =	simm.s32 @p1 $0x1;
	p0 =	seq.s32 s7, s2  }
0x1e: {  	s7 =	smul.u32 @!p0 $0xF7A, s2;
	p2 =	seq.s32 @!p0 s5, $0x0  }
0x1f: {  	s9 =	smul.u32 $0xF7A, s1;
	s8 =	simm.s32 @!p0 $0x1BF5;
	p2 =	por !p2, p0  }
0x20: {  	[sflag:s8] =	ssyncset.s32 @!p0 $0xFFFFF086;
	s6 =	sadd.s32 @!p0 s3, s7;
	s7 =	simm.s32 @!p0 $0x108  }
0x21: {  	s3 =	sadd.s32 s3, s9;
	s6 =	sadd.s32 @!p0 $0x88, s6;
	s7 =	simm.s32 @p2 $0x1082  }
0x22: {  	[simem:s7], [sflag:s8] =	dma.local @!p0 [hbm:s6], $0xF7A  }
0x23: {  	s9 =	sor.u32 $0xD0000000, s2;
	s6 =	simm.s32 $0x108;
	_ =	swait.ge @!p0 [sflag:s8], $0x0  }
0x24: {  	s3 =	sadd.s32 $0x88, s3;
	s6 =	simm.s32 @!p1 $0x1082;
	[sflag:s4] =	ssyncset.s32 $0xFFFFF086  }
0x25: {  	[simem:s6], [sflag:s4] =	dma.local [hbm:s3], $0xF7A  }
0x26: {  	[smem:$0x3F9F] =	sst s1;
	(tag) =	ssettag s2;
	_ =	strace s9  }
0x27: {  	s1 =	sld [smem:$0x3FAF]  }
0x28: {  	s2 =	sld [smem:$0x3FB0]  }
0x29: {  	s4 =	sld [smem:$0x3FB2]  }
0x2a: {  	p0 =	seq.s32 s5, $0x0;
	s5 =	sld [smem:$0x3FB3]  }
0x2b: {  	s6 =	sld [smem:$0x3FB4]  }
0x2c: {  	s7 =	sld [smem:$0x3FB5]  }
0x2d: {  	s3 =	simm.s32 $0x108;
	s8 =	sld [smem:$0x3FB6]  }
0x2e: {  	s3 =	simm.s32 @!p0 $0x1082;
	s9 =	sld [smem:$0x3FB7]  }
0x2f: {  	lr =	sadd.s32 s0, s3;
	s0 =	sld [smem:$0x3FAE]  }
0x30: {  	s3 =	sld [smem:$0x3FB1]  }
0x31: {  	[smem:$0x3FBA] =	sst s10  }
0x32: {  	s10 =	sld [smem:$0x3FB8];
	_ =	sdelay $0x3  }
0x33: {  	p0 =	seq.s32 s10, $0x1;
	s10 =	sld [smem:$0x3FBA];
	_ =	sdelay $0x3  }
0x34: {  	[smem:$0x3FBA] =	sst s10  }
0x35: {  	s10 =	sld [smem:$0x3FB9];
	_ =	sdelay $0x3  }
0x36: {  	p1 =	seq.s32 s10, $0x1;
	s10 =	sld [smem:$0x3FBA];
	_ =	sdelay $0x3  }
0x37: {  	[smem:$0x3FBA] =	sst s10  }
0x38: {  	s10 =	sld [smem:$0x3FBB]  }
0x39: {  	_ = 	snop;
	(pc) =	sbr.ind lr, $3  }
0x3a: {  	_ = 	snop  }
0x3b: {  	_ = 	snop  }
0x3c: {  	p2 =	seq.s32 s10, $0x1;
	s10 =	sld [smem:$0x3FBA]  }
0x3d: {  	_ =	shalt  }
0x3e: {  	_ =	shalt  }
0x3f: {  	_ =	shalt  }
0x40: {  	_ =	shalt  }
0x41: {  	_ =	shalt  }
0x42: {  	_ =	shalt  }
0x43: {  	_ =	shalt  }
0x44: {  	_ =	shalt  }
0x45: {  	_ =	shalt  }
0x46: {  	_ =	shalt  }
0x47: {  	_ =	shalt  }
0x48: {  	_ =	shalt  }
0x49: {  	_ =	shalt  }
0x4a: {  	_ =	shalt  }
0x4b: {  	_ =	shalt  }
0x4c: {  	_ =	shalt  }
0x4d: {  	_ =	shalt  }
0x4e: {  	_ =	shalt  }
0x4f: {  	_ =	shalt  }
0x50: {  	_ =	shalt  }
0x51: {  	_ =	shalt  }
0x52: {  	_ =	shalt  }
0x53: {  	_ =	shalt  }
0x54: {  	_ =	shalt  }
0x55: {  	_ =	shalt  }
0x56: {  	_ =	shalt  }
0x57: {  	_ =	shalt  }
0x58: {  	_ =	shalt  }
0x59: {  	_ =	shalt  }
0x5a: {  	_ =	shalt  }
0x5b: {  	_ =	shalt  }
0x5c: {  	_ =	shalt  }
0x5d: {  	_ =	shalt  }
0x5e: {  	_ =	shalt  }
0x5f: {  	_ =	shalt  }
0x60: {  	_ =	shalt  }
0x61: {  	_ =	shalt  }
0x62: {  	_ =	shalt  }
0x63: {  	_ =	shalt  }
0x64: {  	_ =	shalt  }
0x65: {  	_ =	shalt  }
0x66: {  	_ =	shalt  }
0x67: {  	_ =	shalt  }
0x68: {  	_ =	shalt  }
0x69: {  	_ =	shalt  }
0x6a: {  	_ =	shalt  }
0x6b: {  	_ =	shalt  }
0x6c: {  	_ =	shalt  }
0x6d: {  	_ =	shalt  }
0x6e: {  	_ =	shalt  }
0x6f: {  	_ =	shalt  }
0x70: {  	_ =	shalt  }
0x71: {  	_ =	shalt  }
0x72: {  	_ =	shalt  }
0x73: {  	_ =	shalt  }
0x74: {  	_ =	shalt  }
0x75: {  	_ =	shalt  }
0x76: {  	_ =	shalt  }
0x77: {  	_ =	shalt  }
0x78: {  	_ =	shalt  }
0x79: {  	_ =	shalt  }
0x7a: {  	_ =	shalt  }
0x7b: {  	_ =	shalt  }
0x7c: {  	_ =	shalt  }
0x7d: {  	_ =	shalt  }
0x7e: {  	_ =	shalt  }
0x7f: {  	_ =	shalt  }
0x80: {  	_ =	shalt  }
0x81: {  	_ =	shalt  }
0x82: {  	_ =	shalt  }
0x83: {  	_ =	shalt  }
0x84: {  	_ =	shalt  }
0x85: {  	_ =	shalt  }
0x86: {  	_ =	shalt  }
0x87: {  	_ =	shalt  }
.Lfunc_end0:
.L_simem_size_0:
called_computation_lowered:
.L_overlay_start_0:
0x88: {  	s2 =	sld [smem:$0x3FD9]  }
0x89: {  	s3 =	sld [smem:$0x3FFE];
	_ =	sdelay $0x1  }
0x8a: {  	s1 =	srdreg.scid  }
0x8b: {  	s0 =	sand.u32 $0x1, s1  }
0x8c: {  	s18 =	sshll.u32 s0, $0xA;
	s2 =	sadd.s32 s3, s2  }
0x8d: {  	s2 =	sadd.s32 s2, s18  }
0x8e: {  	[smem:$0x3FC6] =	sst s2  }
0x8f: {  	_ = 	snop  }
0x90: {  	s2 =	sld [smem:$0x3FC9]  }
0x91: {  	s19 =	sld [smem:$0x3FC8]  }
0x92: {  	s4 =	sld [smem:$0x3FD0];
	(tm) =	ssettm $0x1  }
0x93: {  	s5 =	sld [smem:$0x3FFB];
	_ =	sdelay $0x3  }
0x94: {  	_ =	strace s5  }
0x95: {  	s5 =	sld [smem:$0x3FFC];
	_ =	sdelay $0x3  }
0x96: {  	_ =	strace s5  }
0x97: {  	s5 =	sld [smem:$0x3FFD];
	_ =	sdelay $0x3  }
0x98: {  	_ =	strace s5  }
0x99: {  	_ =	strace $0x8FFFFFFF  }
0x9a: {  	s20 =	sld [smem:$0x3FDB];
	_ =	sdelay $0x1  }
0x9b: {  	s6 =	simm.s32 $_scs_section_size  }
0x9c: {  	s7 =	simm.s32 $_size__tile_overlayer_lowered;
	s8 =	simm.s32 $_tile_overlayer_lowered  }
0x9d: {  	s23 =	simm.s32 $0x1BFF;
	s22 =	sshll.u32 s8, $0x1;
	s5 =	sadd.s32 s6, s20  }
0x9e: {  	s9 =	simm.s32 $0x0;
	s21 =	sshll.u32 s7, $0x1;
	s7 =	sadd.s32 s22, s5  }
0x9f: {  	[timem:s9], [sflag:s23] =	dma.local [hbm:s7], s21  }
0xa0: {  	_ =	swait.ge [sflag:s23], s21  }
0xa1: {  	s6 =	ssub.s32 $0x0, s21;
	[sflag:s23] =	ssyncset.done $0x0  }
0xa2: {  	[sflag:s23] =	ssyncadd.s32 s6;
	_ =	sdelay $0x1  }
0xa3: {  	s24 =	simm.s32 $0x1B8B  }
0xa4: {  	_ =	swait.ge [sflag:s24], $0x1  }
0xa5: {  	[sflag:s24] =	ssyncset.done $0x0  }
0xa6: {  	s25 =	simm.s32 $0x1B8E;
	[sflag:s24] =	ssyncadd.s32 $0xFFFFFFFF  }
0xa7: {  	s26 =	simm.s32 $execute0_lowered;
	[smem:$0x3FD2] =	sst s25  }
0xa8: {  	s6 =	sshll.u32 s26, $0x1;
	_ =	strace $0x80000046;
	[dreg:$0x1] =	wrdreg $0xFFFFFFFF  }
0xa9: {  	s28 =	simm.s32 $_size_execute0_lowered;
	s5 =	sadd.s32 s5, s6;
	[dreg:$0x0] =	wrdreg $0x0  }
0xaa: {  	s6 =	sshll.u32 s28, $0x1;
	[dreg:$0x2] =	wrdreg s5  }
0xab: {  	[dreg:$0x3] =	wrdreg s6  }
0xac: {  	[dreg:$0x4] =	wrdreg $0xC0  }
0xad: {  	_ =	task [dreg:s9], $0x5FFFF  }
0xae: {  	[dreg:$0x1] =	wrdreg $0xFFFFFFFF  }
0xaf: {  	[dreg:$0x0] =	wrdreg $0x60  }
0xb0: {  	[dreg:$0x2] =	wrdreg s2  }
0xb1: {  	[dreg:$0x3] =	wrdreg s19  }
0xb2: {  	[dreg:$0x4] =	wrdreg s4  }
0xb3: {  	[dreg:$0x5] =	wrdreg $0x9  }
0xb4: {  	_ =	task.clear_ibuf [dreg:s9], $0x6FFFF;
	_ =	strace $0x90000046  }
0xb5: {  	s29 =	simm.s32 $0x9;
	_ =	strace $0x80000048  }
0xb6: {  	_ =	swait.ge [sflag:s29], $0x1  }
0xb7: {  	[sflag:s29] =	ssyncadd.s32 $0xFFFFFFFF  }
0xb8: {  	_ =	strace $0x90000048  }
0xb9: {  	_ =	sfence  }
0xba: {  	s30 =	sld [smem:$0x0];
	_ =	sdelay $0x2  }
0xbb: {  	s31 =	sshll.u32 s1, $0xD;
	s1 =	sshrl.u32 s1, $0x2  }
0xbc: {  	s3 =	sand.u32 $0x4000, s31;
	s1 =	sadd.s32 s1, s30  }
0xbd: {  	s0 =	sor.u32 s3, s0;
	s1 =	sshll.u32 s1, $0x11  }
0xbe: {  	s0 =	sor.u32 s1, s0  }
0xbf: {  	s0 =	sadd.s32 $0x8F2B, s0  }
0xc0: {  	[sflag:s0] =	ssyncadd.remote.s32 $0x1  }
0xc1: {  	_ =	sfence.sel $0xFFFF  }
0xc2: {  	[dreg:$0x0] =	wrdreg $0xFFFFFFFF;
	(pc) =	sbr.abs _section_cstart, $3  }
0xc3: {  	[dreg:$0x1] =	wrdreg $0xFFFFFFFF  }
0xc4: {  	_ =	task.clear_ibuf [dreg:s9], $0x2FFFF;
	_ =	strace $0x9FFFFFFF  }
0xc5: {  	(tm) =	ssettm $0x7FFFFFFF  }
tec
execute0_lowered:
.L_overlay_start_1:
0x0: {  	(tag) =	ssettag $0x1  }
0x1: {  	s3 =	rddreg [dreg:$0x0]  }
0x2: {  	s0 =	rddreg [dreg:$0x1]  }
0x3: {  	s6 =	rddreg [dreg:$0x2]  }
0x4: {  	s1 =	srdreg.scid;
	[dreg:$0x4] =	wrdreg s0  }
0x5: {  	s2 =	simm.s32 $0x0;
	s4 =	sand.u32 $0x1, s1;
	s1 =	rddreg [dreg:$0x3]  }
0x6: {  	s13 =	simm.s32 $0x2100;
	[smem:$0x7FF] =	sst s2  }
0x7: {  	s14 =	simm.s32 $0x2900;
	_ =	strace $0x80000047;
	[dreg:$0xf] =	wrdreg s13  }
0x8: {  	s15 =	simm.s32 $0x3100;
	[dreg:$0x10] =	wrdreg s14  }
0x9: {  	s16 =	simm.s32 $0x3900;
	[dreg:$0x11] =	wrdreg s15  }
0xa: {  	s17 =	simm.s32 $0x4100;
	[dreg:$0x12] =	wrdreg s16  }
0xb: {  	s18 =	simm.s32 $0x4900;
	[dreg:$0x13] =	wrdreg s17  }
0xc: {  	s19 =	simm.s32 $0x5100;
	[dreg:$0x14] =	wrdreg s18  }
0xd: {  	s20 =	simm.s32 $0x5900;
	[dreg:$0x15] =	wrdreg s19  }
0xe: {  	s21 =	simm.s32 $0x6100;
	[dreg:$0x16] =	wrdreg s20  }
0xf: {  	s22 =	simm.s32 $0x6900;
	[dreg:$0x17] =	wrdreg s21  }
0x10: {  	s23 =	simm.s32 $0x7100;
	[dreg:$0x18] =	wrdreg s22  }
0x11: {  	s24 =	simm.s32 $0x7900;
	[dreg:$0x19] =	wrdreg s23  }
0x12: {  	s25 =	simm.s32 $0x8900;
	[dreg:$0x1a] =	wrdreg s24  }
0x13: {  	s26 =	simm.s32 $0x9100;
	[dreg:$0x1b] =	wrdreg s25  }
0x14: {  	s28 =	simm.s32 $0x9900;
	[dreg:$0x1c] =	wrdreg s26  }
0x15: {  	[dreg:$0x1d] =	wrdreg s28;
	s13 =	simm.s32 $0xE900  }
0x16: {  	s14 =	simm.s32 $0xF100;
	[smem:$0x7EC] =	sst s13  }
0x17: {  	s15 =	simm.s32 $0xF900;
	[smem:$0x7ED] =	sst s14  }
0x18: {  	s16 =	simm.s32 $0x10900;
	[smem:$0x7EE] =	sst s15  }
0x19: {  	s17 =	simm.s32 $0x11100;
	[smem:$0x7EF] =	sst s16  }
0x1a: {  	s19 =	simm.s32 $0x11900;
	[smem:$0x7F0] =	sst s17  }
0x1b: {  	s20 =	simm.s32 $0x12100;
	[smem:$0x7F1] =	sst s19  }
0x1c: {  	s0 =	stileid.u32;
	s21 =	simm.s32 $0x12900;
	[smem:$0x7F2] =	sst s20  }
0x1d: {  	s5 =	sshll.u32 s0, $0x1;
	s22 =	simm.s32 $0x13100;
	[smem:$0x7F3] =	sst s21  }
0x1e: {  	s10 =	sshll.u32 s0, $0x4;
	s23 =	simm.s32 $0x13900;
	[smem:$0x7F4] =	sst s22  }
0x1f: {  	s30 =	sshll.u32 s0, $0xD;
	s24 =	simm.s32 $0x14100;
	[smem:$0x7F5] =	sst s23  }
0x20: {  	p0 =	sgt.u32 s0, $0x3;
	s25 =	simm.s32 $0x14900;
	[smem:$0x7F6] =	sst s24  }
0x21: {  	s26 =	simm.s32 $0x15100;
	s28 =	simm.s32 $0x15900;
	[smem:$0x7F7] =	sst s25  }
0x22: {  	s7 =	sor.u32 s4, s5;
	s31 =	sand.u32 $0xC0, s10;
	[smem:$0x7F8] =	sst s26  }
0x23: {  	s10 =	simm.s32 $0x900;
	s4 =	ssub.s32 $0x2, s4;
	[smem:$0x7F9] =	sst s28  }
0x24: {  	s13 =	simm.s32 $0x17100;
	s14 =	simm.s32 $0x4000;
	s15 =	simm.s32 $0x20000  }
0x25: {  	s8 =	sor.u32 $0x20, s7;
	s9 =	sor.u32 $0x40, s7;
	s12 =	sshll.u32 s7, $0xB  }
0x26: {  	s7 =	sshll.u32 s7, $0xE;
	[dreg:$0xc] =	wrdreg s10;
	s10 =	simm.s32 $0xD100  }
0x27: {  	[smem:$0x7FC] =	sst s13;
	s29 =	sshll.u32 s8, $0x1;
	s11 =	sshll.u32 s9, $0x1  }
0x28: {  	s8 =	sshll.u32 s8, $0xF;
	s7 =	sand.u32 $0x1C000, s7;
	s9 =	sshll.u32 s9, $0xF  }
0x29: {  	[smem:$0x7E9] =	sst s10;
	s5 =	sand.u32 $0x70, s29;
	s11 =	sand.u32 $0xB0, s11  }
0x2a: {  	s8 =	sand.u32 $0x1C0000, s8;
	s9 =	sand.u32 $0x2C0000, s9;
	[dreg:$0x5] =	wrdreg s5  }
0x2b: {  	s29 =	simm.s32 $0xA100;
	[dreg:$0x6] =	wrdreg s11;
	s8 =	sor.u32 s7, s8  }
0x2c: {  	s7 =	sor.u32 s7, s9;
	s9 =	sshrl.u32 s31, $0x2;
	[dreg:$0x1e] =	wrdreg s29  }
0x2d: {  	s11 =	sand.u32 $0x18000, s30;
	s30 =	simm.s32 $0xA900;
	[dreg:$0xb] =	wrdreg s9  }
0x2e: {  	s16 =	simm.s32 $0x2;
	s31 =	simm.s32 $0xB100;
	[dreg:$0x1f] =	wrdreg s30  }
0x2f: {  	s17 =	simm.s32 $0x3;
	s29 =	simm.s32 $0x16100;
	[smem:$0x7E5] =	sst s31  }
0x30: {  	s18 =	sshrl.u32 s4, $0x1;
	s9 =	simm.s32 $0xC900;
	[smem:$0x7FA] =	sst s29  }
0x31: {  	s5 =	sand.u32 $0x3800, s12;
	s30 =	simm.s32 $0x16900;
	[smem:$0x7E8] =	sst s9  }
0x32: {  	s11 =	sadd.s32 s6, s11;
	s31 =	simm.s32 $0x17900;
	[smem:$0x7FB] =	sst s30  }
0x33: {  	s8 =	sshrl.u32 s8, $0x3;
	s11 =	sadd.s32 s5, s11;
	[smem:$0x7FD] =	sst s31  }
0x34: {  	s7 =	sshrl.u32 s7, $0x3;
	s8 =	sadd.s32 s6, s8;
	[dreg:$0x7] =	wrdreg s11  }
0x35: {  	s13 =	simm.s32 $0x1;
	s7 =	sadd.s32 s6, s7;
	[dreg:$0x8] =	wrdreg s8  }
0x36: {  	s6 =	sadd.s32 s12, s6;
	s12 =	simm.s32 $0x1900;
	[dreg:$0x9] =	wrdreg s7  }
0x37: {  	s4 =	ssub.s32 s4, s18;
	s6 =	sadd.s32 $0x5C000, s6;
	[dreg:$0xe] =	wrdreg s12  }
0x38: {  	s4 =	smax.u32 s4, $0x1;
	s11 =	simm.s32 $0x1100;
	[dreg:$0xa] =	wrdreg s6  }
0x39: {  	s3 =	sadd.s32 s3, s5;
	s7 =	simm.s32 $0xB900;
	[dreg:$0xd] =	wrdreg s11  }
0x3a: {  	s5 =	simm.s32 $0x7;
	s8 =	simm.s32 $0xC100;
	[smem:$0x7E6] =	sst s7  }
0x3b: {  	s9 =	sadd.s32 $0x300, s3;
	s12 =	simm.s32 $0xE100;
	[smem:$0x7E7] =	sst s8  }
0x3c: {  	v2 =	vlaneseq.u32;
	s10 =	sadd.s32 $0x400, s3;
	s11 =	simm.s32 $0xD900;
	[smem:$0x7EB] =	sst s12  }
0x3d: {  	vm0 =	vmmov $0xffff;
	v1 =	vshrl.u32 v2, $0x3;
	v0 =	vand.u32 $0x7, v2;
	s6 =	simm.s32 $0x100;
	s7 =	sadd.s32 $0x100, s3;
	s8 =	sadd.s32 $0x200, s3  }
0x3e: {  	v2 =	vor.u32 $0x8, v2;
	v1 =	vmul.u32 $0x8, v1;
	vm1 =	vmmov @!p0 $0xffff;
	s12 =	simm.s32 $0x10100;
	[smem:$0x7EA] =	sst s11;
	s11 =	simm.s32 $0x8100  }
.LBB2_1:
0x3f: {  	s18 =	rddreg [dreg:$0x4]  }
0x40: {  	[tilespmem:s2], [sflag:$0x7] =	stream.linear.gather [hbm4b:s18+s2], $0x100, $0x38;
	[tilespmem:$0x18100] =	vst v63  }
0x41: {  	_ =	swait.ge [sflag:s5], $0x100  }
0x42: {  	[sflag:s5] =	ssyncset.done $0x0  }
0x43: {  	s24 =	rddreg [dreg:$0xb];
	[sflag:s5] =	ssyncadd.s32 $0xFFFFFF00  }
0x44: {  	v3 =	vld [tilespmem:s24+$0x0];
	_ =	sdelay $0x4  }
0x45: {  	v4 =	vshll.u32 v3, $0x7  }
0x46: {  	v3 =	vand.u32 $0x7, v3;
	v4 =	vand.u32 $0xFFFFFC00, v4  }
0x47: {  	v3 =	vor.u32 v3, v4  }
0x48: {  	v4 =	vperm.xlane v3, v0;
	_ =	sdelay $0x1  }
0x49: {  	v4 =	vadd.s32 v1, v4;
	_ =	sdelay $0x3  }
0x4a: {  	s25 =	rddreg [dreg:$0xc]  }
0x4b: {  	[tilespmem:s6], [sflag:$0x1] =	stream.indirect_vreg.gather [hbm4b:s3+s2], $0x80, v4, vm0, $0xb8;
	[tilespmem:$0x18100] =	vst v63  }
0x4c: {  	s19 =	rddreg [dreg:$0xd]  }
0x4d: {  	[tilespmem:s25], [sflag:$0x1] =	stream.indirect_vreg.gather [hbm4b:s7+s2], $0x80, v4, vm0, $0xb8;
	[tilespmem:$0x18100] =	vst v63  }
0x4e: {  	s26 =	rddreg [dreg:$0xe]  }
0x4f: {  	[tilespmem:s19], [sflag:$0x1] =	stream.indirect_vreg.gather [hbm4b:s8+s2], $0x80, v4, vm0, $0xb8;
	[tilespmem:$0x18100] =	vst v63  }
0x50: {  	s28 =	rddreg [dreg:$0xf]  }
0x51: {  	[tilespmem:s26], [sflag:$0x1] =	stream.indirect_vreg.gather [hbm4b:s9+s2], $0x80, v4, vm0, $0xb8;
	[tilespmem:$0x18100] =	vst v63  }
0x52: {  	s20 =	rddreg [dreg:$0x10]  }
0x53: {  	[tilespmem:s28], [sflag:$0x1] =	stream.indirect_vreg.gather [hbm4b:s10+s2], $0x80, v4, vm0, $0xb8;
	[tilespmem:$0x18100] =	vst v63  }
0x54: {  	s18 =	sadd.s32 $0x500, s3;
	s21 =	rddreg [dreg:$0x11];
	v3 =	vperm.xlane v3, v2  }
0x55: {  	[tilespmem:s20], [sflag:$0x1] =	stream.indirect_vreg.gather [hbm4b:s18+s2], $0x80, v4, vm0, $0xb8;
	[tilespmem:$0x18100] =	vst v63  }
0x56: {  	s22 =	rddreg [dreg:$0x12];
	v3 =	vadd.s32 v1, v3;
	s19 =	sadd.s32 $0x600, s3  }
0x57: {  	[tilespmem:s21], [sflag:$0x1] =	stream.indirect_vreg.gather [hbm4b:s19+s2], $0x80, v4, vm0, $0xb8;
	[tilespmem:$0x18100] =	vst v63  }
0x58: {  	s29 =	rddreg [dreg:$0x13];
	s20 =	sadd.s32 $0x700, s3  }
0x59: {  	[tilespmem:s22], [sflag:$0x1] =	stream.indirect_vreg.gather [hbm4b:s20+s2], $0x80, v4, vm0, $0xb8;
	[tilespmem:$0x18100] =	vst v63  }
0x5a: {  	s30 =	rddreg [dreg:$0x14]  }
0x5b: {  	[tilespmem:s29], [sflag:$0x1] =	stream.indirect_vreg.gather [hbm4b:s3+s2], $0x80, v3, vm0, $0xb8;
	[tilespmem:$0x18100] =	vst v63  }
0x5c: {  	s31 =	rddreg [dreg:$0x15]  }
0x5d: {  	[tilespmem:s30], [sflag:$0x1] =	stream.indirect_vreg.gather [hbm4b:s7+s2], $0x80, v3, vm0, $0xb8;
	[tilespmem:$0x18100] =	vst v63  }
0x5e: {  	s23 =	rddreg [dreg:$0x16]  }
0x5f: {  	[tilespmem:s31], [sflag:$0x1] =	stream.indirect_vreg.gather [hbm4b:s8+s2], $0x80, v3, vm0, $0xb8;
	[tilespmem:$0x18100] =	vst v63  }
0x60: {  	s24 =	rddreg [dreg:$0x17]  }
0x61: {  	[tilespmem:s23], [sflag:$0x1] =	stream.indirect_vreg.gather [hbm4b:s9+s2], $0x80, v3, vm0, $0xb8;
	[tilespmem:$0x18100] =	vst v63  }
0x62: {  	s25 =	rddreg [dreg:$0x18]  }
0x63: {  	[tilespmem:s24], [sflag:$0x1] =	stream.indirect_vreg.gather [hbm4b:s10+s2], $0x80, v3, vm0, $0xb8;
	[tilespmem:$0x18100] =	vst v63  }
0x64: {  	s26 =	rddreg [dreg:$0x19]  }
0x65: {  	[tilespmem:s25], [sflag:$0x1] =	stream.indirect_vreg.gather [hbm4b:s18+s2], $0x80, v3, vm0, $0xb8;
	[tilespmem:$0x18100] =	vst v63  }
0x66: {  	s28 =	rddreg [dreg:$0x1a]  }
0x67: {  	[tilespmem:s26], [sflag:$0x1] =	stream.indirect_vreg.gather [hbm4b:s19+s2], $0x80, v3, vm0, $0xb8;
	[tilespmem:$0x18100] =	vst v63  }
0x68: {  	s29 =	rddreg [dreg:$0x5]  }
0x69: {  	[tilespmem:s28], [sflag:$0x1] =	stream.indirect_vreg.gather [hbm4b:s20+s2], $0x80, v3, vm0, $0xb8;
	[tilespmem:$0x18100] =	vst v63  }
0x6a: {  	v3 =	vld [tilespmem:s29+$0x0];
	_ =	sdelay $0x4  }
0x6b: {  	v62 =	vshll.u32 v3, $0x7  }
0x6c: {  	v3 =	vand.u32 $0x7, v3;
	v4 =	vand.u32 $0xFFFFFC00, v62  }
0x6d: {  	v3 =	vor.u32 v3, v4  }
0x6e: {  	v4 =	vperm.xlane v3, v0;
	_ =	sdelay $0x1  }
0x6f: {  	v4 =	vadd.s32 v1, v4;
	_ =	sdelay $0x3  }
0x70: {  	s30 =	rddreg [dreg:$0x1b]  }
0x71: {  	[tilespmem:s11], [sflag:$0x2] =	stream.indirect_vreg.gather [hbm4b:s3+s2], $0x80, v4, vm0, $0xb8;
	[tilespmem:$0x18100] =	vst v63  }
0x72: {  	s31 =	rddreg [dreg:$0x1c]  }
0x73: {  	[tilespmem:s30], [sflag:$0x2] =	stream.indirect_vreg.gather [hbm4b:s7+s2], $0x80, v4, vm0, $0xb8;
	[tilespmem:$0x18100] =	vst v63  }
0x74: {  	s23 =	rddreg [dreg:$0x1d]  }
0x75: {  	[tilespmem:s31], [sflag:$0x2] =	stream.indirect_vreg.gather [hbm4b:s8+s2], $0x80, v4, vm0, $0xb8;
	[tilespmem:$0x18100] =	vst v63  }
0x76: {  	s24 =	rddreg [dreg:$0x1e]  }
0x77: {  	[tilespmem:s23], [sflag:$0x2] =	stream.indirect_vreg.gather [hbm4b:s9+s2], $0x80, v4, vm0, $0xb8;
	[tilespmem:$0x18100] =	vst v63  }
0x78: {  	s25 =	rddreg [dreg:$0x1f]  }
0x79: {  	[tilespmem:s24], [sflag:$0x2] =	stream.indirect_vreg.gather [hbm4b:s10+s2], $0x80, v4, vm0, $0xb8;
	[tilespmem:$0x18100] =	vst v63  }
0x7a: {  	s26 =	sld [smem:$0x7E5];
	v3 =	vperm.xlane v3, v2  }
0x7b: {  	[tilespmem:s25], [sflag:$0x2] =	stream.indirect_vreg.gather [hbm4b:s18+s2], $0x80, v4, vm0, $0xb8;
	[tilespmem:$0x18100] =	vst v63  }
0x7c: {  	s28 =	sld [smem:$0x7E6];
	v3 =	vadd.s32 v1, v3  }
0x7d: {  	[tilespmem:s26], [sflag:$0x2] =	stream.indirect_vreg.gather [hbm4b:s19+s2], $0x80, v4, vm0, $0xb8;
	[tilespmem:$0x18100] =	vst v63  }
0x7e: {  	s29 =	sld [smem:$0x7E7]  }
0x7f: {  	[tilespmem:s28], [sflag:$0x2] =	stream.indirect_vreg.gather [hbm4b:s20+s2], $0x80, v4, vm0, $0xb8;
	[tilespmem:$0x18100] =	vst v63  }
0x80: {  	s30 =	sld [smem:$0x7E8]  }
0x81: {  	[tilespmem:s29], [sflag:$0x2] =	stream.indirect_vreg.gather [hbm4b:s3+s2], $0x80, v3, vm0, $0xb8;
	[tilespmem:$0x18100] =	vst v63  }
0x82: {  	s31 =	sld [smem:$0x7E9]  }
0x83: {  	[tilespmem:s30], [sflag:$0x2] =	stream.indirect_vreg.gather [hbm4b:s7+s2], $0x80, v3, vm0, $0xb8;
	[tilespmem:$0x18100] =	vst v63  }
0x84: {  	s23 =	sld [smem:$0x7EA]  }
0x85: {  	[tilespmem:s31], [sflag:$0x2] =	stream.indirect_vreg.gather [hbm4b:s8+s2], $0x80, v3, vm0, $0xb8;
	[tilespmem:$0x18100] =	vst v63  }
0x86: {  	s24 =	sld [smem:$0x7EB]  }
0x87: {  	[tilespmem:s23], [sflag:$0x2] =	stream.indirect_vreg.gather [hbm4b:s9+s2], $0x80, v3, vm0, $0xb8;
	[tilespmem:$0x18100] =	vst v63  }
0x88: {  	s25 =	sld [smem:$0x7EC]  }
0x89: {  	[tilespmem:s24], [sflag:$0x2] =	stream.indirect_vreg.gather [hbm4b:s10+s2], $0x80, v3, vm0, $0xb8;
	[tilespmem:$0x18100] =	vst v63  }
0x8a: {  	s26 =	sld [smem:$0x7ED]  }
0x8b: {  	[tilespmem:s25], [sflag:$0x2] =	stream.indirect_vreg.gather [hbm4b:s18+s2], $0x80, v3, vm0, $0xb8;
	[tilespmem:$0x18100] =	vst v63  }
0x8c: {  	s28 =	sld [smem:$0x7EE]  }
0x8d: {  	[tilespmem:s26], [sflag:$0x2] =	stream.indirect_vreg.gather [hbm4b:s19+s2], $0x80, v3, vm0, $0xb8;
	[tilespmem:$0x18100] =	vst v63  }
0x8e: {  	s29 =	rddreg [dreg:$0x6]  }
0x8f: {  	[tilespmem:s28], [sflag:$0x2] =	stream.indirect_vreg.gather [hbm4b:s20+s2], $0x80, v3, vm0, $0xb8;
	[tilespmem:$0x18100] =	vst v63  }
0x90: {  	v3 =	vld [tilespmem:s29+$0x0];
	_ =	sdelay $0x4  }
0x91: {  	v63 =	vshll.u32 v3, $0x7  }
0x92: {  	v3 =	vand.u32 $0x7, v3;
	v4 =	vand.u32 $0xFFFFFC00, v63  }
0x93: {  	v3 =	vor.u32 v3, v4  }
0x94: {  	v4 =	vperm.xlane v3, v0;
	_ =	sdelay $0x1  }
0x95: {  	v4 =	vadd.s32 v1, v4;
	_ =	sdelay $0x3  }
0x96: {  	s30 =	sld [smem:$0x7EF]  }
0x97: {  	[tilespmem:s12], [sflag:$0x3] =	stream.indirect_vreg.gather [hbm4b:s3+s2], $0x80, v4, vm0, $0xb8;
	[tilespmem:$0x18100] =	vst v63  }
0x98: {  	s31 =	sld [smem:$0x7F0]  }
0x99: {  	[tilespmem:s30], [sflag:$0x3] =	stream.indirect_vreg.gather [hbm4b:s7+s2], $0x80, v4, vm0, $0xb8;
	[tilespmem:$0x18100] =	vst v63  }
0x9a: {  	s23 =	sld [smem:$0x7F1]  }
0x9b: {  	[tilespmem:s31], [sflag:$0x3] =	stream.indirect_vreg.gather [hbm4b:s8+s2], $0x80, v4, vm0, $0xb8;
	[tilespmem:$0x18100] =	vst v63  }
0x9c: {  	s24 =	sld [smem:$0x7F2]  }
0x9d: {  	[tilespmem:s23], [sflag:$0x3] =	stream.indirect_vreg.gather [hbm4b:s9+s2], $0x80, v4, vm0, $0xb8;
	[tilespmem:$0x18100] =	vst v63  }
0x9e: {  	s25 =	sld [smem:$0x7F3]  }
0x9f: {  	[tilespmem:s24], [sflag:$0x3] =	stream.indirect_vreg.gather [hbm4b:s10+s2], $0x80, v4, vm0, $0xb8;
	[tilespmem:$0x18100] =	vst v63  }
0xa0: {  	s26 =	sld [smem:$0x7F4];
	v3 =	vperm.xlane v3, v2  }
0xa1: {  	[tilespmem:s25], [sflag:$0x3] =	stream.indirect_vreg.gather [hbm4b:s18+s2], $0x80, v4, vm0, $0xb8;
	[tilespmem:$0x18100] =	vst v63  }
0xa2: {  	s28 =	sld [smem:$0x7F5];
	v3 =	vadd.s32 v1, v3  }
0xa3: {  	[tilespmem:s26], [sflag:$0x3] =	stream.indirect_vreg.gather [hbm4b:s19+s2], $0x80, v4, vm0, $0xb8;
	[tilespmem:$0x18100] =	vst v63  }
0xa4: {  	s29 =	sld [smem:$0x7F6]  }
0xa5: {  	[tilespmem:s28], [sflag:$0x3] =	stream.indirect_vreg.gather [hbm4b:s20+s2], $0x80, v4, vm0, $0xb8;
	[tilespmem:$0x18100] =	vst v63  }
0xa6: {  	s30 =	sld [smem:$0x7F7]  }
0xa7: {  	[tilespmem:s29], [sflag:$0x3] =	stream.indirect_vreg.gather [hbm4b:s3+s2], $0x80, v3, vm0, $0xb8;
	[tilespmem:$0x18100] =	vst v63  }
0xa8: {  	s31 =	sld [smem:$0x7F8]  }
0xa9: {  	[tilespmem:s30], [sflag:$0x3] =	stream.indirect_vreg.gather [hbm4b:s7+s2], $0x80, v3, vm0, $0xb8;
	[tilespmem:$0x18100] =	vst v63  }
0xaa: {  	s23 =	sld [smem:$0x7F9]  }
0xab: {  	[tilespmem:s31], [sflag:$0x3] =	stream.indirect_vreg.gather [hbm4b:s8+s2], $0x80, v3, vm0, $0xb8;
	[tilespmem:$0x18100] =	vst v63  }
0xac: {  	s24 =	sld [smem:$0x7FA]  }
0xad: {  	[tilespmem:s23], [sflag:$0x3] =	stream.indirect_vreg.gather [hbm4b:s9+s2], $0x80, v3, vm0, $0xb8;
	[tilespmem:$0x18100] =	vst v63  }
0xae: {  	s25 =	sld [smem:$0x7FB]  }
0xaf: {  	[tilespmem:s24], [sflag:$0x3] =	stream.indirect_vreg.gather [hbm4b:s10+s2], $0x80, v3, vm0, $0xb8;
	[tilespmem:$0x18100] =	vst v63  }
0xb0: {  	s26 =	sld [smem:$0x7FC]  }
0xb1: {  	[tilespmem:s25], [sflag:$0x3] =	stream.indirect_vreg.gather [hbm4b:s18+s2], $0x80, v3, vm0, $0xb8;
	[tilespmem:$0x18100] =	vst v63  }
0xb2: {  	s28 =	sld [smem:$0x7FD]  }
0xb3: {  	[tilespmem:s26], [sflag:$0x3] =	stream.indirect_vreg.gather [hbm4b:s19+s2], $0x80, v3, vm0, $0xb8;
	[tilespmem:$0x18100] =	vst v63  }
0xb4: {  	_ = 	snop  }
0xb5: {  	[tilespmem:s28], [sflag:$0x3] =	stream.indirect_vreg.gather [hbm4b:s20+s2], $0x80, v3, vm0, $0xb8;
	[tilespmem:$0x18100] =	vst v63  }
0xb6: {  	_ =	swait.ge [sflag:s13], $0x8000  }
0xb7: {  	[sflag:s13] =	ssyncset.done $0x0  }
0xb8: {  	s21 =	simm.s32 @!p0 $0x4;
	s29 =	rddreg [dreg:$0x7];
	[sflag:s13] =	ssyncadd.s32 $0xFFFF8000  }
0xb9: {  	[hbm4b:s29+s14] =	stream.strided.scatter [tilespmem:s6], [sflag:$0x4], $0x8000, s15, s14, $0x38;
	[tilespmem:$0x18100] =	vst v63  }
0xba: {  	_ =	swait.ge @!p0 [sflag:s21], $0x8000  }
0xbb: {  	[sflag:s21] =	ssyncset.done @!p0 $0x0  }
0xbc: {  	[sflag:s21] =	ssyncadd.s32 @!p0 $0xFFFF8000  }
0xbd: {  	v3 =	vld @!p0 [tilespmem:$0xB8];
	_ =	sdelay $0x4  }
0xbe: {  	v4 =	vshll.u32 @!p0 v3, $0x7  }
0xbf: {  	v5 =	vlaneseq.u32 @!p0;
	v3 =	vand.u32 @!p0 $0x7, v3;
	v4 =	vand.u32 @!p0 $0xFFFFFC00, v4  }
0xc0: {  	v6 =	vshrl.u32 @!p0 v5, $0x3;
	v3 =	vor.u32 @!p0 v3, v4;
	v4 =	vand.u32 @!p0 $0x7, v5  }
0xc1: {  	v6 =	vmul.u32 @!p0 $0x8, v6;
	v4 =	vperm.xlane @!p0 v3, v4;
	_ =	sdelay $0x1  }
0xc2: {  	v4 =	vadd.s32 @!p0 v6, v4;
	_ =	sdelay $0x3  }
0xc3: {  	s22 =	simm.s32 @!p0 $0x0;
	s23 =	simm.s32 @!p0 $0x100  }
0xc4: {  	[tilespmem:s23], [sflag:$0x1] =	stream.indirect_vreg.gather @!p0 [hbm4b:s3+s22], $0x80, v4, vm1, $0xb8;
	[tilespmem:$0x18100] =	vst v63  }
0xc5: {  	s24 =	simm.s32 @!p0 $0x900  }
0xc6: {  	[tilespmem:s24], [sflag:$0x1] =	stream.indirect_vreg.gather @!p0 [hbm4b:s7+s22], $0x80, v4, vm1, $0xb8;
	[tilespmem:$0x18100] =	vst v63  }
0xc7: {  	s24 =	simm.s32 @!p0 $0x1100  }
0xc8: {  	[tilespmem:s24], [sflag:$0x1] =	stream.indirect_vreg.gather @!p0 [hbm4b:s8+s22], $0x80, v4, vm1, $0xb8;
	[tilespmem:$0x18100] =	vst v63  }
0xc9: {  	s24 =	simm.s32 @!p0 $0x1900  }
0xca: {  	[tilespmem:s24], [sflag:$0x1] =	stream.indirect_vreg.gather @!p0 [hbm4b:s9+s22], $0x80, v4, vm1, $0xb8;
	[tilespmem:$0x18100] =	vst v63  }
0xcb: {  	s24 =	simm.s32 @!p0 $0x2100  }
0xcc: {  	v5 =	vor.u32 @!p0 $0x8, v5;
	[tilespmem:s24], [sflag:$0x1] =	stream.indirect_vreg.gather @!p0 [hbm4b:s10+s22], $0x80, v4, vm1, $0xb8;
	[tilespmem:$0x18100] =	vst v63  }
0xcd: {  	v3 =	vperm.xlane @!p0 v3, v5;
	s24 =	simm.s32 @!p0 $0x2900  }
0xce: {  	[tilespmem:s24], [sflag:$0x1] =	stream.indirect_vreg.gather @!p0 [hbm4b:s18+s22], $0x80, v4, vm1, $0xb8;
	[tilespmem:$0x18100] =	vst v63  }
0xcf: {  	v3 =	vadd.s32 @!p0 v6, v3;
	s24 =	simm.s32 @!p0 $0x3100  }
0xd0: {  	[tilespmem:s24], [sflag:$0x1] =	stream.indirect_vreg.gather @!p0 [hbm4b:s19+s22], $0x80, v4, vm1, $0xb8;
	[tilespmem:$0x18100] =	vst v63  }
0xd1: {  	s24 =	simm.s32 @!p0 $0x3900  }
0xd2: {  	[tilespmem:s24], [sflag:$0x1] =	stream.indirect_vreg.gather @!p0 [hbm4b:s20+s22], $0x80, v4, vm1, $0xb8;
	[tilespmem:$0x18100] =	vst v63  }
0xd3: {  	s24 =	simm.s32 @!p0 $0x4100  }
0xd4: {  	[tilespmem:s24], [sflag:$0x1] =	stream.indirect_vreg.gather @!p0 [hbm4b:s3+s22], $0x80, v3, vm1, $0xb8;
	[tilespmem:$0x18100] =	vst v63  }
0xd5: {  	s24 =	simm.s32 @!p0 $0x4900  }
0xd6: {  	[tilespmem:s24], [sflag:$0x1] =	stream.indirect_vreg.gather @!p0 [hbm4b:s7+s22], $0x80, v3, vm1, $0xb8;
	[tilespmem:$0x18100] =	vst v63  }
0xd7: {  	s24 =	simm.s32 @!p0 $0x5100  }
0xd8: {  	[tilespmem:s24], [sflag:$0x1] =	stream.indirect_vreg.gather @!p0 [hbm4b:s8+s22], $0x80, v3, vm1, $0xb8;
	[tilespmem:$0x18100] =	vst v63  }
0xd9: {  	s24 =	simm.s32 @!p0 $0x5900  }
0xda: {  	[tilespmem:s24], [sflag:$0x1] =	stream.indirect_vreg.gather @!p0 [hbm4b:s9+s22], $0x80, v3, vm1, $0xb8;
	[tilespmem:$0x18100] =	vst v63  }
0xdb: {  	s24 =	simm.s32 @!p0 $0x6100  }
0xdc: {  	[tilespmem:s24], [sflag:$0x1] =	stream.indirect_vreg.gather @!p0 [hbm4b:s10+s22], $0x80, v3, vm1, $0xb8;
	[tilespmem:$0x18100] =	vst v63  }
0xdd: {  	s24 =	simm.s32 @!p0 $0x6900  }
0xde: {  	[tilespmem:s24], [sflag:$0x1] =	stream.indirect_vreg.gather @!p0 [hbm4b:s18+s22], $0x80, v3, vm1, $0xb8;
	[tilespmem:$0x18100] =	vst v63  }
0xdf: {  	s18 =	simm.s32 @!p0 $0x7100  }
0xe0: {  	[tilespmem:s18], [sflag:$0x1] =	stream.indirect_vreg.gather @!p0 [hbm4b:s19+s22], $0x80, v3, vm1, $0xb8;
	[tilespmem:$0x18100] =	vst v63  }
0xe1: {  	s18 =	simm.s32 @!p0 $0x7900  }
0xe2: {  	[tilespmem:s18], [sflag:$0x1] =	stream.indirect_vreg.gather @!p0 [hbm4b:s20+s22], $0x80, v3, vm1, $0xb8;
	[tilespmem:$0x18100] =	vst v63  }
0xe3: {  	_ =	swait.ge [sflag:s16], $0x8000  }
0xe4: {  	[sflag:s16] =	ssyncset.done $0x0  }
0xe5: {  	s30 =	rddreg [dreg:$0x8];
	[sflag:s16] =	ssyncadd.s32 $0xFFFF8000  }
0xe6: {  	[hbm4b:s30+s14] =	stream.strided.scatter [tilespmem:s11], [sflag:$0x5], $0x8000, s15, s14, $0x38;
	[tilespmem:$0x18100] =	vst v63  }
0xe7: {  	_ =	swait.ge [sflag:s17], $0x8000  }
0xe8: {  	[sflag:s17] =	ssyncset.done $0x0  }
0xe9: {  	s18 =	simm.s32 @!p0 $0x1;
	s31 =	rddreg [dreg:$0x9];
	[sflag:s17] =	ssyncadd.s32 $0xFFFF8000  }
0xea: {  	[hbm4b:s31+s14] =	stream.strided.scatter [tilespmem:s12], [sflag:$0x6], $0x8000, s15, s14, $0x38;
	[tilespmem:$0x18100] =	vst v63  }
0xeb: {  	_ =	swait.ge @!p0 [sflag:s18], $0x8000  }
0xec: {  	s20 =	simm.s32 @!p0 $0x20000;
	[sflag:s18] =	ssyncset.done @!p0 $0x0  }
0xed: {  	s19 =	rddreg [dreg:$0xa];
	[sflag:s18] =	ssyncadd.s32 @!p0 $0xFFFF8000;
	s18 =	simm.s32 @!p0 $0x4000  }
0xee: {  	[hbm4b:s19+s18] =	stream.strided.scatter @!p0 [tilespmem:s23], [sflag:$0x4], $0x8000, s20, s18, $0x38;
	[tilespmem:$0x18100] =	vst v63  }
0xef: {  	s18 =	simm.s32 @!p0 $0x5  }
0xf0: {  	_ =	swait.ge @!p0 [sflag:s18], $0x8000  }
0xf1: {  	s19 =	simm.s32 @!p0 $0x6;
	[sflag:s18] =	ssyncset.done @!p0 $0x0  }
0xf2: {  	s4 =	sadd.s32 $0xFFFFFFFF, s4;
	s19 =	simm.s32 @p0 $0x5;
	[sflag:s18] =	ssyncadd.s32 @!p0 $0xFFFF8000  }
0xf3: {  	p1 =	sne.s32 s4, $0x0;
	_ =	swait.ge [sflag:s19], $0x8000  }
.Ltmp0:
0xf4: {  	[sflag:s19] =	ssyncset.done $0x0;
	(pc) =	sbr.rel @p1 .LBB2_1-.Ltmp0, $4  }
0xf5: {  	s21 =	simm.s32 @p0 $0x6;
	[sflag:s19] =	ssyncadd.s32 $0xFFFF8000  }
0xf6: {  	_ =	swait.ge [sflag:s21], $0x8000  }
0xf7: {  	[sflag:s21] =	ssyncset.done $0x0  }
0xf8: {  	[sflag:s21] =	ssyncadd.s32 $0xFFFF8000  }
0xf9: {  	_ =	sfence.sel $0x180000  }
0xfa: {  	[bflag:$0x0] =	sbarrier.arrive $0xFFFF  }
0xfb: {  	p0 =	sne.s32 s0, $0x0;
	_ =	strace $0x90000047  }
0xfc: {  	s0 =	sadd.s32 @!p0 $0x100000, s1;
	[bflag:$0x2] =	sbarrier.arrive $0xFFFF  }
0xfd: {  	[sflag:s0] =	ssyncadd.tile.s32 @!p0 $0x1;
	_ =	shalt  }
.Lfunc_end2:
_tile_overlayer_lowered:
.L_overlay_start_2:
0xfe: {  	(tag) =	ssettag $0x2  }
0xff: {  	s0 =	rddreg [dreg:$0x0];
	s2 =	stileid.u32  }
0x100: {  	s1 =	rddreg [dreg:$0x1];
	p0 =	sne.s32 s2, $0x0  }
0x101: {  	s3 =	rddreg [dreg:$0x2];
	[bflag:$0x3] =	sbarrier.arrive $0xFFFF;
	s2 =	simm.s32 @!p0 $0x1C07  }
0x102: {  	[timem:s3], [sflag:s2] =	dma.local @!p0 [hbm:s0], s1  }
0x103: {  	s0 =	simm.s32 @!p0 $0x7  }
0x104: {  	_ =	swait.ge @!p0 [sflag:s0], s1  }
0x105: {  	s1 =	ssub.s32 @!p0 $0x0, s1;
	[sflag:s0] =	ssyncset.done @!p0 $0x0  }
0x106: {  	[sflag:s0] =	ssyncadd.s32 @!p0 s1  }
0x107: {  	[bflag:$0x3] =	sbarrier.arrive $0xFFFF  }
0x108: {  	_ =	shalt  }

</sc_bundles>
